<compile_context>
chip_gen: v7x
topology: tpu7x:2x2x1
jax: 0.10.2.dev20260603
libtpu: 0.0.44.dev20260713+nightly
codegen_flags: <defaults>
</compile_context>

<pallas_src>
import functools

import jax
import jax.numpy as jnp
from jax import lax
from jax.experimental import pallas as pl
from jax.experimental.pallas import tpu as pltpu
from jax.experimental.pallas import tpu_sc as plsc

D_VOCAB = 100000
D_MODEL = 1024


@functools.cache
def _make_gather(V, D, B):
    info = plsc.get_sparse_core_info()
    NC, NS = info.num_cores, info.num_subcores
    NW = NC * NS
    assert B % NW == 0
    b_per_w = B // NW
    CHUNK = 16
    NBUF = 4
    n_chunks = b_per_w // CHUNK
    assert n_chunks % NBUF == 0 and n_chunks >= 2 * NBUF

    mesh = plsc.VectorSubcoreMesh(core_axis_name="c", subcore_axis_name="s")

    @functools.partial(
        pl.kernel,
        mesh=mesh,
        out_type=jax.ShapeDtypeStruct((B, D), jnp.float32),
        scratch_types=[
            pltpu.VMEM((b_per_w,), jnp.int32),
            pltpu.VMEM((NBUF, CHUNK, D), jnp.float32),
            pltpu.SemaphoreType.DMA,
            pltpu.SemaphoreType.DMA,
            pltpu.SemaphoreType.DMA,
            pltpu.SemaphoreType.DMA,
            pltpu.SemaphoreType.DMA,
            pltpu.SemaphoreType.DMA,
            pltpu.SemaphoreType.DMA,
            pltpu.SemaphoreType.DMA,
        ],
    )
    def k(idx_hbm, table_hbm, out_hbm, idx_v, rows_v,
          g0, g1, g2, g3, o0, o1, o2, o3):
        gsem = (g0, g1, g2, g3)
        osem = (o0, o1, o2, o3)
        wid = lax.axis_index("s") * NC + lax.axis_index("c")
        base = pl.multiple_of(wid * b_per_w, b_per_w)
        w_per_row = idx_hbm.shape[1] // b_per_w
        row = wid // w_per_row
        col = pl.multiple_of((wid % w_per_row) * b_per_w, b_per_w)
        pltpu.sync_copy(idx_hbm.at[row, pl.ds(col, b_per_w)], idx_v)

        def issue_gather(ci, b):
            off = pl.multiple_of(ci * CHUNK, CHUNK)
            pltpu.async_copy(
                table_hbm.at[idx_v.at[pl.ds(off, CHUNK)]], rows_v.at[b], gsem[b]
            )

        def wait_gather(ci, b):
            off = pl.multiple_of(ci * CHUNK, CHUNK)
            pltpu.make_async_copy(
                table_hbm.at[idx_v.at[pl.ds(off, CHUNK)]], rows_v.at[b], gsem[b]
            ).wait()

        def issue_store(ci, b):
            off = pl.multiple_of(ci * CHUNK, CHUNK)
            pltpu.async_copy(
                rows_v.at[b], out_hbm.at[pl.ds(base + off, CHUNK)], osem[b]
            )

        def wait_store(ci, b):
            off = pl.multiple_of(ci * CHUNK, CHUNK)
            pltpu.make_async_copy(
                rows_v.at[b], out_hbm.at[pl.ds(base + off, CHUNK)], osem[b]
            ).wait()

        for ci in (0, 1, 2):
            issue_gather(jnp.int32(ci), ci)
        wait_gather(jnp.int32(0), 0)
        issue_store(jnp.int32(0), 0)
        issue_gather(jnp.int32(3), 3)

        def body(i, carry):
            ci0 = 1 + i * NBUF
            for j in range(NBUF):
                ci = ci0 + j
                b = (1 + j) % NBUF
                bn = j % NBUF
                wait_gather(ci, b)
                issue_store(ci, b)
                wait_store(ci - 1, bn)
                issue_gather(ci + 3, bn)
            return carry

        lax.fori_loop(0, (n_chunks - 4) // NBUF, body, jnp.int32(0))

        for ci in (n_chunks - 3, n_chunks - 2, n_chunks - 1):
            b = ci % NBUF
            wait_gather(jnp.int32(ci), b)
            issue_store(jnp.int32(ci), b)
        for q in range(NBUF):
            ci = n_chunks - NBUF + q
            wait_store(jnp.int32(ci), ci % NBUF)

    return k


def kernel(x, W_E):
    B, S = x.shape
    idx = x.astype(jnp.int32)
    out = _make_gather(W_E.shape[0], W_E.shape[1], B * S)(idx, W_E)
    return out.reshape(B, S, W_E.shape[1])

# --- scband reference (transcript-rebuilt; emitter-appended) ---
"""Pipeline reference for scband-tok-embed-5592047420051 (READ-ONLY COPY).

The authoritative reference and input builder live on the scoring server;
editing this copy changes nothing except your own understanding.
"""

import jax, jax.numpy as jnp
import numpy as np

D_VOCAB = 100000
D_MODEL = 1024
BATCH = 4
SEQ = 4096


def setup_inputs(seed: int = 0) -> dict:
    key = jax.random.key(seed)
    k_idx, k_w = jax.random.split(key)
    x = jax.random.randint(k_idx, (BATCH, SEQ), 0, D_VOCAB, dtype=jnp.int64 if jax.config.jax_enable_x64 else jnp.int32)
    W_E = jax.random.normal(k_w, (D_VOCAB, D_MODEL), dtype=jnp.float32) * 0.02
    return {"x": x, "W_E": W_E}


def reference(x, W_E):
    # F.embedding(x, W_E) -> row gather from the embedding table
    return jnp.take(W_E, x, axis=0)

if __name__ == "__main__":
    import jax
    _d = setup_inputs()
    print(jax.jit(kernel)(*tuple(_d.values())))

</pallas_src>

<mosaic_0001>
#map = affine_map<(d0, d1) -> (0, 0)>
module attributes {stable_mosaic.version = 14 : i64} {
  func.func @k(%arg0: i32, %arg1: i32, %arg2: memref<4x4096xi32, #tpu.memory_space<hbm>>, %arg3: memref<100000x1024xf32, #tpu.memory_space<hbm>>, %arg4: memref<16384x1024xf32, #tpu.memory_space<hbm>>, %arg5: memref<512xi32, #tpu.memory_space<vmem>>, %arg6: memref<4x16x1024xf32, #tpu.memory_space<vmem>>, %arg7: memref<!tpu.dma_semaphore, #tpu.memory_space<semaphore_mem>>, %arg8: memref<!tpu.dma_semaphore, #tpu.memory_space<semaphore_mem>>, %arg9: memref<!tpu.dma_semaphore, #tpu.memory_space<semaphore_mem>>, %arg10: memref<!tpu.dma_semaphore, #tpu.memory_space<semaphore_mem>>, %arg11: memref<!tpu.dma_semaphore, #tpu.memory_space<semaphore_mem>>, %arg12: memref<!tpu.dma_semaphore, #tpu.memory_space<semaphore_mem>>, %arg13: memref<!tpu.dma_semaphore, #tpu.memory_space<semaphore_mem>>, %arg14: memref<!tpu.dma_semaphore, #tpu.memory_space<semaphore_mem>>) attributes {dimension_semantics = [#tpu.dimension_semantics<core_parallel>, #tpu.dimension_semantics<subcore_parallel>], iteration_bounds = array<i64: 2, 16>, scalar_prefetch = 0 : i64, scratch_operands = 10 : i64, tpu.core_type = #tpu.core_type<sc_vector_subcore>, window_params = [{transform_indices = #map}, {transform_indices = #map}, {transform_indices = #map}]} {
    %mul3A = arith.constant 2 : i32
    %mul3A_0 = arith.muli %arg1, %mul3A : i32
    %add3A = arith.addi %mul3A_0, %arg0 : i32
    %mul3A_1 = arith.constant 512 : i32
    %mul3A_2 = arith.muli %add3A, %mul3A_1 : i32
    %multiple_of3A = tpu.assume_multiple %mul3A_2, 512 : i32
    %jit3A = arith.constant 8 : i32
    %div3A = arith.divsi %add3A, %jit3A : i32
    %sign3A = arith.constant 0 : i32
    %sign3A_3 = arith.cmpi sgt, %add3A, %sign3A : i32
    %sign3A_4 = arith.extui %sign3A_3 : i1 to i32
    %sign3A_5 = arith.constant 0 : i32
    %sign3A_6 = arith.cmpi slt, %add3A, %sign3A_5 : i32
    %sign3A_7 = arith.extui %sign3A_6 : i1 to i32
    %sign3A_8 = arith.subi %sign3A_4, %sign3A_7 : i32
    %sign3A_9 = arith.constant 0 : i32
    %sign3A_10 = arith.cmpi sgt, %jit3A, %sign3A_9 : i32
    %sign3A_11 = arith.extui %sign3A_10 : i1 to i32
    %sign3A_12 = arith.constant 0 : i32
    %sign3A_13 = arith.cmpi slt, %jit3A, %sign3A_12 : i32
    %sign3A_14 = arith.extui %sign3A_13 : i1 to i32
    %sign3A_15 = arith.subi %sign3A_11, %sign3A_14 : i32
    %ne3A = arith.cmpi ne, %sign3A_8, %sign3A_15 : i32
    %rem3A = arith.remsi %add3A, %jit3A : i32
    %ne3A_16 = arith.constant 0 : i32
    %ne3A_17 = arith.cmpi ne, %rem3A, %ne3A_16 : i32
    %and3A = arith.andi %ne3A, %ne3A_17 : i1
    %sub3A = arith.constant 1 : i32
    %sub3A_18 = arith.subi %div3A, %sub3A : i32
    %select_n3A = arith.select %and3A, %sub3A_18, %div3A : i32
    %jit3A_19 = arith.constant 8 : i32
    %eq3A = arith.constant 0 : i32
    %eq3A_20 = arith.cmpi eq, %jit3A_19, %eq3A : i32
    %jit3A_21 = arith.constant 1 : i32
    %select_n3A_22 = arith.select %eq3A_20, %jit3A_21, %jit3A_19 : i32
    %rem3A_23 = arith.remsi %add3A, %select_n3A_22 : i32
    %ne3A_24 = arith.constant 0 : i32
    %ne3A_25 = arith.cmpi ne, %rem3A_23, %ne3A_24 : i32
    %lt3A = arith.constant 0 : i32
    %lt3A_26 = arith.cmpi slt, %rem3A_23, %lt3A : i32
    %lt3A_27 = arith.constant 0 : i32
    %lt3A_28 = arith.cmpi slt, %select_n3A_22, %lt3A_27 : i32
    %ne3A_29 = arith.xori %lt3A_26, %lt3A_28 : i1
    %and3A_30 = arith.andi %ne3A_29, %ne3A_25 : i1
    %add3A_31 = arith.addi %rem3A_23, %select_n3A_22 : i32
    %select_n3A_32 = arith.select %and3A_30, %add3A_31, %rem3A_23 : i32
    %mul3A_33 = arith.constant 512 : i32
    %mul3A_34 = arith.muli %select_n3A_32, %mul3A_33 : i32
    %multiple_of3A_35 = tpu.assume_multiple %mul3A_34, 512 : i32
    "tpu.region"() ({
      %run_scoped3A = tpu.sem_alloc : memref<!tpu.dma_semaphore, #tpu.memory_space<semaphore_mem>>
      %dma_start3A_287 = tpu.memref_slice %arg2[%select_n3A, %multiple_of3A_35] : memref<4x4096xi32, #tpu.memory_space<hbm>> -> memref<1x512xi32, #tpu.memory_space<hbm>>
      %dma_start3A_288 = tpu.memref_squeeze %dma_start3A_287 : memref<1x512xi32, #tpu.memory_space<hbm>> -> memref<512xi32, #tpu.memory_space<hbm>>
      %dma_start3A_289 = tpu.memref_slice %arg2[%select_n3A, %multiple_of3A_35] : memref<4x4096xi32, #tpu.memory_space<hbm>> -> memref<1x512xi32, #tpu.memory_space<hbm>>
      %dma_start3A_290 = tpu.memref_squeeze %dma_start3A_289 : memref<1x512xi32, #tpu.memory_space<hbm>> -> memref<512xi32, #tpu.memory_space<hbm>>
      tpu.enqueue_dma source(%dma_start3A_290 : memref<512xi32, #tpu.memory_space<hbm>>) target(%arg5 : memref<512xi32, #tpu.memory_space<vmem>>) target_semaphore(%run_scoped3A : memref<!tpu.dma_semaphore, #tpu.memory_space<semaphore_mem>>)
      %dma_wait3A_291 = tpu.memref_slice %arg2[%select_n3A, %multiple_of3A_35] : memref<4x4096xi32, #tpu.memory_space<hbm>> -> memref<1x512xi32, #tpu.memory_space<hbm>>
      %dma_wait3A_292 = tpu.memref_squeeze %dma_wait3A_291 : memref<1x512xi32, #tpu.memory_space<hbm>> -> memref<512xi32, #tpu.memory_space<hbm>>
      %dma_wait3A_293 = tpu.memref_slice %arg2[%select_n3A, %multiple_of3A_35] : memref<4x4096xi32, #tpu.memory_space<hbm>> -> memref<1x512xi32, #tpu.memory_space<hbm>>
      %dma_wait3A_294 = tpu.memref_squeeze %dma_wait3A_293 : memref<1x512xi32, #tpu.memory_space<hbm>> -> memref<512xi32, #tpu.memory_space<hbm>>
      tpu.wait_dma2 semaphore(%run_scoped3A : memref<!tpu.dma_semaphore, #tpu.memory_space<semaphore_mem>>) src(%dma_wait3A_294 : memref<512xi32, #tpu.memory_space<hbm>>) dst(%arg5 : memref<512xi32, #tpu.memory_space<vmem>>)
      tpu.yield
    }) : () -> ()
    %mul3A_36 = arith.constant 0 : i32
    %mul3A_37 = arith.constant 16 : i32
    %mul3A_38 = arith.muli %mul3A_36, %mul3A_37 : i32
    %multiple_of3A_39 = tpu.assume_multiple %mul3A_38, 16 : i32
    %dma_start3A = arith.constant 0 : i32
    %dma_start3A_40 = arith.constant 0 : i32
    %dma_start3A_41 = arith.constant 0 : i32
    %dma_start3A_42 = tpu.memref_slice %arg6[%dma_start3A, %dma_start3A_40, %dma_start3A_41] : memref<4x16x1024xf32, #tpu.memory_space<vmem>> -> memref<1x16x1024xf32, #tpu.memory_space<vmem>>
    %dma_start3A_43 = tpu.memref_squeeze %dma_start3A_42 : memref<1x16x1024xf32, #tpu.memory_space<vmem>> -> memref<16x1024xf32, #tpu.memory_space<vmem>>
    %dma_start3A_44 = tpu.memref_slice %arg5[%multiple_of3A_39] : memref<512xi32, #tpu.memory_space<vmem>> -> memref<16xi32, #tpu.memory_space<vmem>>
    %dma_start3A_45 = arith.constant 0 : i32
    %dma_start3A_46 = arith.constant 0 : i32
    %dma_start3A_47 = tpu.memref_slice %arg3[%dma_start3A_45, %dma_start3A_46] : memref<100000x1024xf32, #tpu.memory_space<hbm>> -> memref<100000x1024xf32, #tpu.memory_space<hbm>>
    tpu.enqueue_indirect_dma source(%dma_start3A_47 : memref<100000x1024xf32, #tpu.memory_space<hbm>>) target(%dma_start3A_43 : memref<16x1024xf32, #tpu.memory_space<vmem>>) offsets(%dma_start3A_44 : memref<16xi32, #tpu.memory_space<vmem>>) semaphore(%arg7 : memref<!tpu.dma_semaphore, #tpu.memory_space<semaphore_mem>>)
    %mul3A_48 = arith.constant 1 : i32
    %mul3A_49 = arith.constant 16 : i32
    %mul3A_50 = arith.muli %mul3A_48, %mul3A_49 : i32
    %multiple_of3A_51 = tpu.assume_multiple %mul3A_50, 16 : i32
    %dma_start3A_52 = arith.constant 1 : i32
    %dma_start3A_53 = arith.constant 0 : i32
    %dma_start3A_54 = arith.constant 0 : i32
    %dma_start3A_55 = tpu.memref_slice %arg6[%dma_start3A_52, %dma_start3A_53, %dma_start3A_54] : memref<4x16x1024xf32, #tpu.memory_space<vmem>> -> memref<1x16x1024xf32, #tpu.memory_space<vmem>>
    %dma_start3A_56 = tpu.memref_squeeze %dma_start3A_55 : memref<1x16x1024xf32, #tpu.memory_space<vmem>> -> memref<16x1024xf32, #tpu.memory_space<vmem>>
    %dma_start3A_57 = tpu.memref_slice %arg5[%multiple_of3A_51] : memref<512xi32, #tpu.memory_space<vmem>> -> memref<16xi32, #tpu.memory_space<vmem>>
    %dma_start3A_58 = arith.constant 0 : i32
    %dma_start3A_59 = arith.constant 0 : i32
    %dma_start3A_60 = tpu.memref_slice %arg3[%dma_start3A_58, %dma_start3A_59] : memref<100000x1024xf32, #tpu.memory_space<hbm>> -> memref<100000x1024xf32, #tpu.memory_space<hbm>>
    tpu.enqueue_indirect_dma source(%dma_start3A_60 : memref<100000x1024xf32, #tpu.memory_space<hbm>>) target(%dma_start3A_56 : memref<16x1024xf32, #tpu.memory_space<vmem>>) offsets(%dma_start3A_57 : memref<16xi32, #tpu.memory_space<vmem>>) semaphore(%arg8 : memref<!tpu.dma_semaphore, #tpu.memory_space<semaphore_mem>>)
    %mul3A_61 = arith.constant 2 : i32
    %mul3A_62 = arith.constant 16 : i32
    %mul3A_63 = arith.muli %mul3A_61, %mul3A_62 : i32
    %multiple_of3A_64 = tpu.assume_multiple %mul3A_63, 16 : i32
    %dma_start3A_65 = arith.constant 2 : i32
    %dma_start3A_66 = arith.constant 0 : i32
    %dma_start3A_67 = arith.constant 0 : i32
    %dma_start3A_68 = tpu.memref_slice %arg6[%dma_start3A_65, %dma_start3A_66, %dma_start3A_67] : memref<4x16x1024xf32, #tpu.memory_space<vmem>> -> memref<1x16x1024xf32, #tpu.memory_space<vmem>>
    %dma_start3A_69 = tpu.memref_squeeze %dma_start3A_68 : memref<1x16x1024xf32, #tpu.memory_space<vmem>> -> memref<16x1024xf32, #tpu.memory_space<vmem>>
    %dma_start3A_70 = tpu.memref_slice %arg5[%multiple_of3A_64] : memref<512xi32, #tpu.memory_space<vmem>> -> memref<16xi32, #tpu.memory_space<vmem>>
    %dma_start3A_71 = arith.constant 0 : i32
    %dma_start3A_72 = arith.constant 0 : i32
    %dma_start3A_73 = tpu.memref_slice %arg3[%dma_start3A_71, %dma_start3A_72] : memref<100000x1024xf32, #tpu.memory_space<hbm>> -> memref<100000x1024xf32, #tpu.memory_space<hbm>>
    tpu.enqueue_indirect_dma source(%dma_start3A_73 : memref<100000x1024xf32, #tpu.memory_space<hbm>>) target(%dma_start3A_69 : memref<16x1024xf32, #tpu.memory_space<vmem>>) offsets(%dma_start3A_70 : memref<16xi32, #tpu.memory_space<vmem>>) semaphore(%arg9 : memref<!tpu.dma_semaphore, #tpu.memory_space<semaphore_mem>>)
    %mul3A_74 = arith.constant 0 : i32
    %mul3A_75 = arith.constant 16 : i32
    %mul3A_76 = arith.muli %mul3A_74, %mul3A_75 : i32
    %multiple_of3A_77 = tpu.assume_multiple %mul3A_76, 16 : i32
    %dma_wait3A = arith.constant 0 : i32
    %dma_wait3A_78 = arith.constant 0 : i32
    %dma_wait3A_79 = arith.constant 0 : i32
    %dma_wait3A_80 = tpu.memref_slice %arg6[%dma_wait3A, %dma_wait3A_78, %dma_wait3A_79] : memref<4x16x1024xf32, #tpu.memory_space<vmem>> -> memref<1x16x1024xf32, #tpu.memory_space<vmem>>
    %dma_wait3A_81 = tpu.memref_squeeze %dma_wait3A_80 : memref<1x16x1024xf32, #tpu.memory_space<vmem>> -> memref<16x1024xf32, #tpu.memory_space<vmem>>
    %dma_wait3A_82 = tpu.memref_slice %arg5[%multiple_of3A_77] : memref<512xi32, #tpu.memory_space<vmem>> -> memref<16xi32, #tpu.memory_space<vmem>>
    %dma_wait3A_83 = arith.constant 0 : i32
    %dma_wait3A_84 = arith.constant 0 : i32
    %dma_wait3A_85 = tpu.memref_slice %arg3[%dma_wait3A_83, %dma_wait3A_84] : memref<100000x1024xf32, #tpu.memory_space<hbm>> -> memref<100000x1024xf32, #tpu.memory_space<hbm>>
    tpu.wait_indirect_dma semaphore(%arg7 : memref<!tpu.dma_semaphore, #tpu.memory_space<semaphore_mem>>) src(%dma_wait3A_85 : memref<100000x1024xf32, #tpu.memory_space<hbm>>) dst(%dma_wait3A_81 : memref<16x1024xf32, #tpu.memory_space<vmem>>)
    %mul3A_86 = arith.constant 0 : i32
    %mul3A_87 = arith.constant 16 : i32
    %mul3A_88 = arith.muli %mul3A_86, %mul3A_87 : i32
    %multiple_of3A_89 = tpu.assume_multiple %mul3A_88, 16 : i32
    %add3A_90 = arith.addi %multiple_of3A, %multiple_of3A_89 : i32
    %dma_start3A_91 = arith.constant 0 : i32
    %dma_start3A_92 = arith.constant 0 : i32
    %dma_start3A_93 = arith.constant 0 : i32
    %dma_start3A_94 = tpu.memref_slice %arg6[%dma_start3A_91, %dma_start3A_92, %dma_start3A_93] : memref<4x16x1024xf32, #tpu.memory_space<vmem>> -> memref<1x16x1024xf32, #tpu.memory_space<vmem>>
    %dma_start3A_95 = tpu.memref_squeeze %dma_start3A_94 : memref<1x16x1024xf32, #tpu.memory_space<vmem>> -> memref<16x1024xf32, #tpu.memory_space<vmem>>
    %dma_start3A_96 = arith.constant 0 : i32
    %dma_start3A_97 = tpu.memref_slice %arg4[%add3A_90, %dma_start3A_96] : memref<16384x1024xf32, #tpu.memory_space<hbm>> -> memref<16x1024xf32, #tpu.memory_space<hbm>>
    %dma_start3A_98 = arith.constant 0 : i32
    %dma_start3A_99 = tpu.memref_slice %arg4[%add3A_90, %dma_start3A_98] : memref<16384x1024xf32, #tpu.memory_space<hbm>> -> memref<16x1024xf32, #tpu.memory_space<hbm>>
    %dma_start3A_100 = arith.constant 0 : i32
    %dma_start3A_101 = arith.constant 0 : i32
    %dma_start3A_102 = tpu.memref_slice %arg6[%dma_start3A_91, %dma_start3A_100, %dma_start3A_101] : memref<4x16x1024xf32, #tpu.memory_space<vmem>> -> memref<1x16x1024xf32, #tpu.memory_space<vmem>>
    %dma_start3A_103 = tpu.memref_squeeze %dma_start3A_102 : memref<1x16x1024xf32, #tpu.memory_space<vmem>> -> memref<16x1024xf32, #tpu.memory_space<vmem>>
    tpu.enqueue_dma source(%dma_start3A_103 : memref<16x1024xf32, #tpu.memory_space<vmem>>) target(%dma_start3A_99 : memref<16x1024xf32, #tpu.memory_space<hbm>>) target_semaphore(%arg11 : memref<!tpu.dma_semaphore, #tpu.memory_space<semaphore_mem>>)
    %mul3A_104 = arith.constant 3 : i32
    %mul3A_105 = arith.constant 16 : i32
    %mul3A_106 = arith.muli %mul3A_104, %mul3A_105 : i32
    %multiple_of3A_107 = tpu.assume_multiple %mul3A_106, 16 : i32
    %dma_start3A_108 = arith.constant 3 : i32
    %dma_start3A_109 = arith.constant 0 : i32
    %dma_start3A_110 = arith.constant 0 : i32
    %dma_start3A_111 = tpu.memref_slice %arg6[%dma_start3A_108, %dma_start3A_109, %dma_start3A_110] : memref<4x16x1024xf32, #tpu.memory_space<vmem>> -> memref<1x16x1024xf32, #tpu.memory_space<vmem>>
    %dma_start3A_112 = tpu.memref_squeeze %dma_start3A_111 : memref<1x16x1024xf32, #tpu.memory_space<vmem>> -> memref<16x1024xf32, #tpu.memory_space<vmem>>
    %dma_start3A_113 = tpu.memref_slice %arg5[%multiple_of3A_107] : memref<512xi32, #tpu.memory_space<vmem>> -> memref<16xi32, #tpu.memory_space<vmem>>
    %dma_start3A_114 = arith.constant 0 : i32
    %dma_start3A_115 = arith.constant 0 : i32
    %dma_start3A_116 = tpu.memref_slice %arg3[%dma_start3A_114, %dma_start3A_115] : memref<100000x1024xf32, #tpu.memory_space<hbm>> -> memref<100000x1024xf32, #tpu.memory_space<hbm>>
    tpu.enqueue_indirect_dma source(%dma_start3A_116 : memref<100000x1024xf32, #tpu.memory_space<hbm>>) target(%dma_start3A_112 : memref<16x1024xf32, #tpu.memory_space<vmem>>) offsets(%dma_start3A_113 : memref<16xi32, #tpu.memory_space<vmem>>) semaphore(%arg10 : memref<!tpu.dma_semaphore, #tpu.memory_space<semaphore_mem>>)
    %scan3A = arith.constant 0 : i32
    %scan3A_117 = arith.constant 0 : i32
    %scan3A_118 = arith.constant 7 : i32
    %scan3A_119 = arith.addi %scan3A_117, %scan3A_118 : i32
    %scan3A_120 = arith.constant 1 : i32
    scf.for %scan3A_287 = %scan3A_117 to %scan3A_119 step %scan3A_120  : i32 {
      %mul3A_288 = arith.constant 4 : i32
      %mul3A_289 = arith.muli %scan3A_287, %mul3A_288 : i32
      %add3A_290 = arith.constant 1 : i32
      %add3A_291 = arith.addi %add3A_290, %mul3A_289 : i32
      %add3A_292 = arith.constant 0 : i32
      %add3A_293 = arith.addi %add3A_291, %add3A_292 : i32
      %mul3A_294 = arith.constant 16 : i32
      %mul3A_295 = arith.muli %add3A_293, %mul3A_294 : i32
      %multiple_of3A_296 = tpu.assume_multiple %mul3A_295, 16 : i32
      %dma_wait3A_297 = arith.constant 1 : i32
      %dma_wait3A_298 = arith.constant 0 : i32
      %dma_wait3A_299 = arith.constant 0 : i32
      %dma_wait3A_300 = tpu.memref_slice %arg6[%dma_wait3A_297, %dma_wait3A_298, %dma_wait3A_299] : memref<4x16x1024xf32, #tpu.memory_space<vmem>> -> memref<1x16x1024xf32, #tpu.memory_space<vmem>>
      %dma_wait3A_301 = tpu.memref_squeeze %dma_wait3A_300 : memref<1x16x1024xf32, #tpu.memory_space<vmem>> -> memref<16x1024xf32, #tpu.memory_space<vmem>>
      %dma_wait3A_302 = tpu.memref_slice %arg5[%multiple_of3A_296] : memref<512xi32, #tpu.memory_space<vmem>> -> memref<16xi32, #tpu.memory_space<vmem>>
      %dma_wait3A_303 = arith.constant 0 : i32
      %dma_wait3A_304 = arith.constant 0 : i32
      %dma_wait3A_305 = tpu.memref_slice %arg3[%dma_wait3A_303, %dma_wait3A_304] : memref<100000x1024xf32, #tpu.memory_space<hbm>> -> memref<100000x1024xf32, #tpu.memory_space<hbm>>
      tpu.wait_indirect_dma semaphore(%arg8 : memref<!tpu.dma_semaphore, #tpu.memory_space<semaphore_mem>>) src(%dma_wait3A_305 : memref<100000x1024xf32, #tpu.memory_space<hbm>>) dst(%dma_wait3A_301 : memref<16x1024xf32, #tpu.memory_space<vmem>>)
      %mul3A_306 = arith.constant 16 : i32
      %mul3A_307 = arith.muli %add3A_293, %mul3A_306 : i32
      %multiple_of3A_308 = tpu.assume_multiple %mul3A_307, 16 : i32
      %add3A_309 = arith.addi %multiple_of3A, %multiple_of3A_308 : i32
      %dma_start3A_310 = arith.constant 1 : i32
      %dma_start3A_311 = arith.constant 0 : i32
      %dma_start3A_312 = arith.constant 0 : i32
      %dma_start3A_313 = tpu.memref_slice %arg6[%dma_start3A_310, %dma_start3A_311, %dma_start3A_312] : memref<4x16x1024xf32, #tpu.memory_space<vmem>> -> memref<1x16x1024xf32, #tpu.memory_space<vmem>>
      %dma_start3A_314 = tpu.memref_squeeze %dma_start3A_313 : memref<1x16x1024xf32, #tpu.memory_space<vmem>> -> memref<16x1024xf32, #tpu.memory_space<vmem>>
      %dma_start3A_315 = arith.constant 0 : i32
      %dma_start3A_316 = tpu.memref_slice %arg4[%add3A_309, %dma_start3A_315] : memref<16384x1024xf32, #tpu.memory_space<hbm>> -> memref<16x1024xf32, #tpu.memory_space<hbm>>
      %dma_start3A_317 = arith.constant 0 : i32
      %dma_start3A_318 = tpu.memref_slice %arg4[%add3A_309, %dma_start3A_317] : memref<16384x1024xf32, #tpu.memory_space<hbm>> -> memref<16x1024xf32, #tpu.memory_space<hbm>>
      %dma_start3A_319 = arith.constant 0 : i32
      %dma_start3A_320 = arith.constant 0 : i32
      %dma_start3A_321 = tpu.memref_slice %arg6[%dma_start3A_310, %dma_start3A_319, %dma_start3A_320] : memref<4x16x1024xf32, #tpu.memory_space<vmem>> -> memref<1x16x1024xf32, #tpu.memory_space<vmem>>
      %dma_start3A_322 = tpu.memref_squeeze %dma_start3A_321 : memref<1x16x1024xf32, #tpu.memory_space<vmem>> -> memref<16x1024xf32, #tpu.memory_space<vmem>>
      tpu.enqueue_dma source(%dma_start3A_322 : memref<16x1024xf32, #tpu.memory_space<vmem>>) target(%dma_start3A_318 : memref<16x1024xf32, #tpu.memory_space<hbm>>) target_semaphore(%arg12 : memref<!tpu.dma_semaphore, #tpu.memory_space<semaphore_mem>>)
      %sub3A_323 = arith.constant 1 : i32
      %sub3A_324 = arith.subi %add3A_293, %sub3A_323 : i32
      %mul3A_325 = arith.constant 16 : i32
      %mul3A_326 = arith.muli %sub3A_324, %mul3A_325 : i32
      %multiple_of3A_327 = tpu.assume_multiple %mul3A_326, 16 : i32
      %add3A_328 = arith.addi %multiple_of3A, %multiple_of3A_327 : i32
      %dma_wait3A_329 = arith.constant 0 : i32
      %dma_wait3A_330 = arith.constant 0 : i32
      %dma_wait3A_331 = arith.constant 0 : i32
      %dma_wait3A_332 = tpu.memref_slice %arg6[%dma_wait3A_329, %dma_wait3A_330, %dma_wait3A_331] : memref<4x16x1024xf32, #tpu.memory_space<vmem>> -> memref<1x16x1024xf32, #tpu.memory_space<vmem>>
      %dma_wait3A_333 = tpu.memref_squeeze %dma_wait3A_332 : memref<1x16x1024xf32, #tpu.memory_space<vmem>> -> memref<16x1024xf32, #tpu.memory_space<vmem>>
      %dma_wait3A_334 = arith.constant 0 : i32
      %dma_wait3A_335 = tpu.memref_slice %arg4[%add3A_328, %dma_wait3A_334] : memref<16384x1024xf32, #tpu.memory_space<hbm>> -> memref<16x1024xf32, #tpu.memory_space<hbm>>
      %dma_wait3A_336 = arith.constant 0 : i32
      %dma_wait3A_337 = tpu.memref_slice %arg4[%add3A_328, %dma_wait3A_336] : memref<16384x1024xf32, #tpu.memory_space<hbm>> -> memref<16x1024xf32, #tpu.memory_space<hbm>>
      %dma_wait3A_338 = arith.constant 0 : i32
      %dma_wait3A_339 = arith.constant 0 : i32
      %dma_wait3A_340 = tpu.memref_slice %arg6[%dma_wait3A_329, %dma_wait3A_338, %dma_wait3A_339] : memref<4x16x1024xf32, #tpu.memory_space<vmem>> -> memref<1x16x1024xf32, #tpu.memory_space<vmem>>
      %dma_wait3A_341 = tpu.memref_squeeze %dma_wait3A_340 : memref<1x16x1024xf32, #tpu.memory_space<vmem>> -> memref<16x1024xf32, #tpu.memory_space<vmem>>
      tpu.wait_dma2 semaphore(%arg11 : memref<!tpu.dma_semaphore, #tpu.memory_space<semaphore_mem>>) src(%dma_wait3A_341 : memref<16x1024xf32, #tpu.memory_space<vmem>>) dst(%dma_wait3A_337 : memref<16x1024xf32, #tpu.memory_space<hbm>>)
      %add3A_342 = arith.constant 3 : i32
      %add3A_343 = arith.addi %add3A_293, %add3A_342 : i32
      %mul3A_344 = arith.constant 16 : i32
      %mul3A_345 = arith.muli %add3A_343, %mul3A_344 : i32
      %multiple_of3A_346 = tpu.assume_multiple %mul3A_345, 16 : i32
      %dma_start3A_347 = arith.constant 0 : i32
      %dma_start3A_348 = arith.constant 0 : i32
      %dma_start3A_349 = arith.constant 0 : i32
      %dma_start3A_350 = tpu.memref_slice %arg6[%dma_start3A_347, %dma_start3A_348, %dma_start3A_349] : memref<4x16x1024xf32, #tpu.memory_space<vmem>> -> memref<1x16x1024xf32, #tpu.memory_space<vmem>>
      %dma_start3A_351 = tpu.memref_squeeze %dma_start3A_350 : memref<1x16x1024xf32, #tpu.memory_space<vmem>> -> memref<16x1024xf32, #tpu.memory_space<vmem>>
      %dma_start3A_352 = tpu.memref_slice %arg5[%multiple_of3A_346] : memref<512xi32, #tpu.memory_space<vmem>> -> memref<16xi32, #tpu.memory_space<vmem>>
      %dma_start3A_353 = arith.constant 0 : i32
      %dma_start3A_354 = arith.constant 0 : i32
      %dma_start3A_355 = tpu.memref_slice %arg3[%dma_start3A_353, %dma_start3A_354] : memref<100000x1024xf32, #tpu.memory_space<hbm>> -> memref<100000x1024xf32, #tpu.memory_space<hbm>>
      tpu.enqueue_indirect_dma source(%dma_start3A_355 : memref<100000x1024xf32, #tpu.memory_space<hbm>>) target(%dma_start3A_351 : memref<16x1024xf32, #tpu.memory_space<vmem>>) offsets(%dma_start3A_352 : memref<16xi32, #tpu.memory_space<vmem>>) semaphore(%arg7 : memref<!tpu.dma_semaphore, #tpu.memory_space<semaphore_mem>>)
      %add3A_356 = arith.constant 1 : i32
      %add3A_357 = arith.addi %add3A_291, %add3A_356 : i32
      %mul3A_358 = arith.constant 16 : i32
      %mul3A_359 = arith.muli %add3A_357, %mul3A_358 : i32
      %multiple_of3A_360 = tpu.assume_multiple %mul3A_359, 16 : i32
      %dma_wait3A_361 = arith.constant 2 : i32
      %dma_wait3A_362 = arith.constant 0 : i32
      %dma_wait3A_363 = arith.constant 0 : i32
      %dma_wait3A_364 = tpu.memref_slice %arg6[%dma_wait3A_361, %dma_wait3A_362, %dma_wait3A_363] : memref<4x16x1024xf32, #tpu.memory_space<vmem>> -> memref<1x16x1024xf32, #tpu.memory_space<vmem>>
      %dma_wait3A_365 = tpu.memref_squeeze %dma_wait3A_364 : memref<1x16x1024xf32, #tpu.memory_space<vmem>> -> memref<16x1024xf32, #tpu.memory_space<vmem>>
      %dma_wait3A_366 = tpu.memref_slice %arg5[%multiple_of3A_360] : memref<512xi32, #tpu.memory_space<vmem>> -> memref<16xi32, #tpu.memory_space<vmem>>
      %dma_wait3A_367 = arith.constant 0 : i32
      %dma_wait3A_368 = arith.constant 0 : i32
      %dma_wait3A_369 = tpu.memref_slice %arg3[%dma_wait3A_367, %dma_wait3A_368] : memref<100000x1024xf32, #tpu.memory_space<hbm>> -> memref<100000x1024xf32, #tpu.memory_space<hbm>>
      tpu.wait_indirect_dma semaphore(%arg9 : memref<!tpu.dma_semaphore, #tpu.memory_space<semaphore_mem>>) src(%dma_wait3A_369 : memref<100000x1024xf32, #tpu.memory_space<hbm>>) dst(%dma_wait3A_365 : memref<16x1024xf32, #tpu.memory_space<vmem>>)
      %mul3A_370 = arith.constant 16 : i32
      %mul3A_371 = arith.muli %add3A_357, %mul3A_370 : i32
      %multiple_of3A_372 = tpu.assume_multiple %mul3A_371, 16 : i32
      %add3A_373 = arith.addi %multiple_of3A, %multiple_of3A_372 : i32
      %dma_start3A_374 = arith.constant 2 : i32
      %dma_start3A_375 = arith.constant 0 : i32
      %dma_start3A_376 = arith.constant 0 : i32
      %dma_start3A_377 = tpu.memref_slice %arg6[%dma_start3A_374, %dma_start3A_375, %dma_start3A_376] : memref<4x16x1024xf32, #tpu.memory_space<vmem>> -> memref<1x16x1024xf32, #tpu.memory_space<vmem>>
      %dma_start3A_378 = tpu.memref_squeeze %dma_start3A_377 : memref<1x16x1024xf32, #tpu.memory_space<vmem>> -> memref<16x1024xf32, #tpu.memory_space<vmem>>
      %dma_start3A_379 = arith.constant 0 : i32
      %dma_start3A_380 = tpu.memref_slice %arg4[%add3A_373, %dma_start3A_379] : memref<16384x1024xf32, #tpu.memory_space<hbm>> -> memref<16x1024xf32, #tpu.memory_space<hbm>>
      %dma_start3A_381 = arith.constant 0 : i32
      %dma_start3A_382 = tpu.memref_slice %arg4[%add3A_373, %dma_start3A_381] : memref<16384x1024xf32, #tpu.memory_space<hbm>> -> memref<16x1024xf32, #tpu.memory_space<hbm>>
      %dma_start3A_383 = arith.constant 0 : i32
      %dma_start3A_384 = arith.constant 0 : i32
      %dma_start3A_385 = tpu.memref_slice %arg6[%dma_start3A_374, %dma_start3A_383, %dma_start3A_384] : memref<4x16x1024xf32, #tpu.memory_space<vmem>> -> memref<1x16x1024xf32, #tpu.memory_space<vmem>>
      %dma_start3A_386 = tpu.memref_squeeze %dma_start3A_385 : memref<1x16x1024xf32, #tpu.memory_space<vmem>> -> memref<16x1024xf32, #tpu.memory_space<vmem>>
      tpu.enqueue_dma source(%dma_start3A_386 : memref<16x1024xf32, #tpu.memory_space<vmem>>) target(%dma_start3A_382 : memref<16x1024xf32, #tpu.memory_space<hbm>>) target_semaphore(%arg13 : memref<!tpu.dma_semaphore, #tpu.memory_space<semaphore_mem>>)
      %sub3A_387 = arith.constant 1 : i32
      %sub3A_388 = arith.subi %add3A_357, %sub3A_387 : i32
      %mul3A_389 = arith.constant 16 : i32
      %mul3A_390 = arith.muli %sub3A_388, %mul3A_389 : i32
      %multiple_of3A_391 = tpu.assume_multiple %mul3A_390, 16 : i32
      %add3A_392 = arith.addi %multiple_of3A, %multiple_of3A_391 : i32
      %dma_wait3A_393 = arith.constant 1 : i32
      %dma_wait3A_394 = arith.constant 0 : i32
      %dma_wait3A_395 = arith.constant 0 : i32
      %dma_wait3A_396 = tpu.memref_slice %arg6[%dma_wait3A_393, %dma_wait3A_394, %dma_wait3A_395] : memref<4x16x1024xf32, #tpu.memory_space<vmem>> -> memref<1x16x1024xf32, #tpu.memory_space<vmem>>
      %dma_wait3A_397 = tpu.memref_squeeze %dma_wait3A_396 : memref<1x16x1024xf32, #tpu.memory_space<vmem>> -> memref<16x1024xf32, #tpu.memory_space<vmem>>
      %dma_wait3A_398 = arith.constant 0 : i32
      %dma_wait3A_399 = tpu.memref_slice %arg4[%add3A_392, %dma_wait3A_398] : memref<16384x1024xf32, #tpu.memory_space<hbm>> -> memref<16x1024xf32, #tpu.memory_space<hbm>>
      %dma_wait3A_400 = arith.constant 0 : i32
      %dma_wait3A_401 = tpu.memref_slice %arg4[%add3A_392, %dma_wait3A_400] : memref<16384x1024xf32, #tpu.memory_space<hbm>> -> memref<16x1024xf32, #tpu.memory_space<hbm>>
      %dma_wait3A_402 = arith.constant 0 : i32
      %dma_wait3A_403 = arith.constant 0 : i32
      %dma_wait3A_404 = tpu.memref_slice %arg6[%dma_wait3A_393, %dma_wait3A_402, %dma_wait3A_403] : memref<4x16x1024xf32, #tpu.memory_space<vmem>> -> memref<1x16x1024xf32, #tpu.memory_space<vmem>>
      %dma_wait3A_405 = tpu.memref_squeeze %dma_wait3A_404 : memref<1x16x1024xf32, #tpu.memory_space<vmem>> -> memref<16x1024xf32, #tpu.memory_space<vmem>>
      tpu.wait_dma2 semaphore(%arg12 : memref<!tpu.dma_semaphore, #tpu.memory_space<semaphore_mem>>) src(%dma_wait3A_405 : memref<16x1024xf32, #tpu.memory_space<vmem>>) dst(%dma_wait3A_401 : memref<16x1024xf32, #tpu.memory_space<hbm>>)
      %add3A_406 = arith.constant 3 : i32
      %add3A_407 = arith.addi %add3A_357, %add3A_406 : i32
      %mul3A_408 = arith.constant 16 : i32
      %mul3A_409 = arith.muli %add3A_407, %mul3A_408 : i32
      %multiple_of3A_410 = tpu.assume_multiple %mul3A_409, 16 : i32
      %dma_start3A_411 = arith.constant 1 : i32
      %dma_start3A_412 = arith.constant 0 : i32
      %dma_start3A_413 = arith.constant 0 : i32
      %dma_start3A_414 = tpu.memref_slice %arg6[%dma_start3A_411, %dma_start3A_412, %dma_start3A_413] : memref<4x16x1024xf32, #tpu.memory_space<vmem>> -> memref<1x16x1024xf32, #tpu.memory_space<vmem>>
      %dma_start3A_415 = tpu.memref_squeeze %dma_start3A_414 : memref<1x16x1024xf32, #tpu.memory_space<vmem>> -> memref<16x1024xf32, #tpu.memory_space<vmem>>
      %dma_start3A_416 = tpu.memref_slice %arg5[%multiple_of3A_410] : memref<512xi32, #tpu.memory_space<vmem>> -> memref<16xi32, #tpu.memory_space<vmem>>
      %dma_start3A_417 = arith.constant 0 : i32
      %dma_start3A_418 = arith.constant 0 : i32
      %dma_start3A_419 = tpu.memref_slice %arg3[%dma_start3A_417, %dma_start3A_418] : memref<100000x1024xf32, #tpu.memory_space<hbm>> -> memref<100000x1024xf32, #tpu.memory_space<hbm>>
      tpu.enqueue_indirect_dma source(%dma_start3A_419 : memref<100000x1024xf32, #tpu.memory_space<hbm>>) target(%dma_start3A_415 : memref<16x1024xf32, #tpu.memory_space<vmem>>) offsets(%dma_start3A_416 : memref<16xi32, #tpu.memory_space<vmem>>) semaphore(%arg8 : memref<!tpu.dma_semaphore, #tpu.memory_space<semaphore_mem>>)
      %add3A_420 = arith.constant 2 : i32
      %add3A_421 = arith.addi %add3A_291, %add3A_420 : i32
      %mul3A_422 = arith.constant 16 : i32
      %mul3A_423 = arith.muli %add3A_421, %mul3A_422 : i32
      %multiple_of3A_424 = tpu.assume_multiple %mul3A_423, 16 : i32
      %dma_wait3A_425 = arith.constant 3 : i32
      %dma_wait3A_426 = arith.constant 0 : i32
      %dma_wait3A_427 = arith.constant 0 : i32
      %dma_wait3A_428 = tpu.memref_slice %arg6[%dma_wait3A_425, %dma_wait3A_426, %dma_wait3A_427] : memref<4x16x1024xf32, #tpu.memory_space<vmem>> -> memref<1x16x1024xf32, #tpu.memory_space<vmem>>
      %dma_wait3A_429 = tpu.memref_squeeze %dma_wait3A_428 : memref<1x16x1024xf32, #tpu.memory_space<vmem>> -> memref<16x1024xf32, #tpu.memory_space<vmem>>
      %dma_wait3A_430 = tpu.memref_slice %arg5[%multiple_of3A_424] : memref<512xi32, #tpu.memory_space<vmem>> -> memref<16xi32, #tpu.memory_space<vmem>>
      %dma_wait3A_431 = arith.constant 0 : i32
      %dma_wait3A_432 = arith.constant 0 : i32
      %dma_wait3A_433 = tpu.memref_slice %arg3[%dma_wait3A_431, %dma_wait3A_432] : memref<100000x1024xf32, #tpu.memory_space<hbm>> -> memref<100000x1024xf32, #tpu.memory_space<hbm>>
      tpu.wait_indirect_dma semaphore(%arg10 : memref<!tpu.dma_semaphore, #tpu.memory_space<semaphore_mem>>) src(%dma_wait3A_433 : memref<100000x1024xf32, #tpu.memory_space<hbm>>) dst(%dma_wait3A_429 : memref<16x1024xf32, #tpu.memory_space<vmem>>)
      %mul3A_434 = arith.constant 16 : i32
      %mul3A_435 = arith.muli %add3A_421, %mul3A_434 : i32
      %multiple_of3A_436 = tpu.assume_multiple %mul3A_435, 16 : i32
      %add3A_437 = arith.addi %multiple_of3A, %multiple_of3A_436 : i32
      %dma_start3A_438 = arith.constant 3 : i32
      %dma_start3A_439 = arith.constant 0 : i32
      %dma_start3A_440 = arith.constant 0 : i32
      %dma_start3A_441 = tpu.memref_slice %arg6[%dma_start3A_438, %dma_start3A_439, %dma_start3A_440] : memref<4x16x1024xf32, #tpu.memory_space<vmem>> -> memref<1x16x1024xf32, #tpu.memory_space<vmem>>
      %dma_start3A_442 = tpu.memref_squeeze %dma_start3A_441 : memref<1x16x1024xf32, #tpu.memory_space<vmem>> -> memref<16x1024xf32, #tpu.memory_space<vmem>>
      %dma_start3A_443 = arith.constant 0 : i32
      %dma_start3A_444 = tpu.memref_slice %arg4[%add3A_437, %dma_start3A_443] : memref<16384x1024xf32, #tpu.memory_space<hbm>> -> memref<16x1024xf32, #tpu.memory_space<hbm>>
      %dma_start3A_445 = arith.constant 0 : i32
      %dma_start3A_446 = tpu.memref_slice %arg4[%add3A_437, %dma_start3A_445] : memref<16384x1024xf32, #tpu.memory_space<hbm>> -> memref<16x1024xf32, #tpu.memory_space<hbm>>
      %dma_start3A_447 = arith.constant 0 : i32
      %dma_start3A_448 = arith.constant 0 : i32
      %dma_start3A_449 = tpu.memref_slice %arg6[%dma_start3A_438, %dma_start3A_447, %dma_start3A_448] : memref<4x16x1024xf32, #tpu.memory_space<vmem>> -> memref<1x16x1024xf32, #tpu.memory_space<vmem>>
      %dma_start3A_450 = tpu.memref_squeeze %dma_start3A_449 : memref<1x16x1024xf32, #tpu.memory_space<vmem>> -> memref<16x1024xf32, #tpu.memory_space<vmem>>
      tpu.enqueue_dma source(%dma_start3A_450 : memref<16x1024xf32, #tpu.memory_space<vmem>>) target(%dma_start3A_446 : memref<16x1024xf32, #tpu.memory_space<hbm>>) target_semaphore(%arg14 : memref<!tpu.dma_semaphore, #tpu.memory_space<semaphore_mem>>)
      %sub3A_451 = arith.constant 1 : i32
      %sub3A_452 = arith.subi %add3A_421, %sub3A_451 : i32
      %mul3A_453 = arith.constant 16 : i32
      %mul3A_454 = arith.muli %sub3A_452, %mul3A_453 : i32
      %multiple_of3A_455 = tpu.assume_multiple %mul3A_454, 16 : i32
      %add3A_456 = arith.addi %multiple_of3A, %multiple_of3A_455 : i32
      %dma_wait3A_457 = arith.constant 2 : i32
      %dma_wait3A_458 = arith.constant 0 : i32
      %dma_wait3A_459 = arith.constant 0 : i32
      %dma_wait3A_460 = tpu.memref_slice %arg6[%dma_wait3A_457, %dma_wait3A_458, %dma_wait3A_459] : memref<4x16x1024xf32, #tpu.memory_space<vmem>> -> memref<1x16x1024xf32, #tpu.memory_space<vmem>>
      %dma_wait3A_461 = tpu.memref_squeeze %dma_wait3A_460 : memref<1x16x1024xf32, #tpu.memory_space<vmem>> -> memref<16x1024xf32, #tpu.memory_space<vmem>>
      %dma_wait3A_462 = arith.constant 0 : i32
      %dma_wait3A_463 = tpu.memref_slice %arg4[%add3A_456, %dma_wait3A_462] : memref<16384x1024xf32, #tpu.memory_space<hbm>> -> memref<16x1024xf32, #tpu.memory_space<hbm>>
      %dma_wait3A_464 = arith.constant 0 : i32
      %dma_wait3A_465 = tpu.memref_slice %arg4[%add3A_456, %dma_wait3A_464] : memref<16384x1024xf32, #tpu.memory_space<hbm>> -> memref<16x1024xf32, #tpu.memory_space<hbm>>
      %dma_wait3A_466 = arith.constant 0 : i32
      %dma_wait3A_467 = arith.constant 0 : i32
      %dma_wait3A_468 = tpu.memref_slice %arg6[%dma_wait3A_457, %dma_wait3A_466, %dma_wait3A_467] : memref<4x16x1024xf32, #tpu.memory_space<vmem>> -> memref<1x16x1024xf32, #tpu.memory_space<vmem>>
      %dma_wait3A_469 = tpu.memref_squeeze %dma_wait3A_468 : memref<1x16x1024xf32, #tpu.memory_space<vmem>> -> memref<16x1024xf32, #tpu.memory_space<vmem>>
      tpu.wait_dma2 semaphore(%arg13 : memref<!tpu.dma_semaphore, #tpu.memory_space<semaphore_mem>>) src(%dma_wait3A_469 : memref<16x1024xf32, #tpu.memory_space<vmem>>) dst(%dma_wait3A_465 : memref<16x1024xf32, #tpu.memory_space<hbm>>)
      %add3A_470 = arith.constant 3 : i32
      %add3A_471 = arith.addi %add3A_421, %add3A_470 : i32
      %mul3A_472 = arith.constant 16 : i32
      %mul3A_473 = arith.muli %add3A_471, %mul3A_472 : i32
      %multiple_of3A_474 = tpu.assume_multiple %mul3A_473, 16 : i32
      %dma_start3A_475 = arith.constant 2 : i32
      %dma_start3A_476 = arith.constant 0 : i32
      %dma_start3A_477 = arith.constant 0 : i32
      %dma_start3A_478 = tpu.memref_slice %arg6[%dma_start3A_475, %dma_start3A_476, %dma_start3A_477] : memref<4x16x1024xf32, #tpu.memory_space<vmem>> -> memref<1x16x1024xf32, #tpu.memory_space<vmem>>
      %dma_start3A_479 = tpu.memref_squeeze %dma_start3A_478 : memref<1x16x1024xf32, #tpu.memory_space<vmem>> -> memref<16x1024xf32, #tpu.memory_space<vmem>>
      %dma_start3A_480 = tpu.memref_slice %arg5[%multiple_of3A_474] : memref<512xi32, #tpu.memory_space<vmem>> -> memref<16xi32, #tpu.memory_space<vmem>>
      %dma_start3A_481 = arith.constant 0 : i32
      %dma_start3A_482 = arith.constant 0 : i32
      %dma_start3A_483 = tpu.memref_slice %arg3[%dma_start3A_481, %dma_start3A_482] : memref<100000x1024xf32, #tpu.memory_space<hbm>> -> memref<100000x1024xf32, #tpu.memory_space<hbm>>
      tpu.enqueue_indirect_dma source(%dma_start3A_483 : memref<100000x1024xf32, #tpu.memory_space<hbm>>) target(%dma_start3A_479 : memref<16x1024xf32, #tpu.memory_space<vmem>>) offsets(%dma_start3A_480 : memref<16xi32, #tpu.memory_space<vmem>>) semaphore(%arg9 : memref<!tpu.dma_semaphore, #tpu.memory_space<semaphore_mem>>)
      %add3A_484 = arith.constant 3 : i32
      %add3A_485 = arith.addi %add3A_291, %add3A_484 : i32
      %mul3A_486 = arith.constant 16 : i32
      %mul3A_487 = arith.muli %add3A_485, %mul3A_486 : i32
      %multiple_of3A_488 = tpu.assume_multiple %mul3A_487, 16 : i32
      %dma_wait3A_489 = arith.constant 0 : i32
      %dma_wait3A_490 = arith.constant 0 : i32
      %dma_wait3A_491 = arith.constant 0 : i32
      %dma_wait3A_492 = tpu.memref_slice %arg6[%dma_wait3A_489, %dma_wait3A_490, %dma_wait3A_491] : memref<4x16x1024xf32, #tpu.memory_space<vmem>> -> memref<1x16x1024xf32, #tpu.memory_space<vmem>>
      %dma_wait3A_493 = tpu.memref_squeeze %dma_wait3A_492 : memref<1x16x1024xf32, #tpu.memory_space<vmem>> -> memref<16x1024xf32, #tpu.memory_space<vmem>>
      %dma_wait3A_494 = tpu.memref_slice %arg5[%multiple_of3A_488] : memref<512xi32, #tpu.memory_space<vmem>> -> memref<16xi32, #tpu.memory_space<vmem>>
      %dma_wait3A_495 = arith.constant 0 : i32
      %dma_wait3A_496 = arith.constant 0 : i32
      %dma_wait3A_497 = tpu.memref_slice %arg3[%dma_wait3A_495, %dma_wait3A_496] : memref<100000x1024xf32, #tpu.memory_space<hbm>> -> memref<100000x1024xf32, #tpu.memory_space<hbm>>
      tpu.wait_indirect_dma semaphore(%arg7 : memref<!tpu.dma_semaphore, #tpu.memory_space<semaphore_mem>>) src(%dma_wait3A_497 : memref<100000x1024xf32, #tpu.memory_space<hbm>>) dst(%dma_wait3A_493 : memref<16x1024xf32, #tpu.memory_space<vmem>>)
      %mul3A_498 = arith.constant 16 : i32
      %mul3A_499 = arith.muli %add3A_485, %mul3A_498 : i32
      %multiple_of3A_500 = tpu.assume_multiple %mul3A_499, 16 : i32
      %add3A_501 = arith.addi %multiple_of3A, %multiple_of3A_500 : i32
      %dma_start3A_502 = arith.constant 0 : i32
      %dma_start3A_503 = arith.constant 0 : i32
      %dma_start3A_504 = arith.constant 0 : i32
      %dma_start3A_505 = tpu.memref_slice %arg6[%dma_start3A_502, %dma_start3A_503, %dma_start3A_504] : memref<4x16x1024xf32, #tpu.memory_space<vmem>> -> memref<1x16x1024xf32, #tpu.memory_space<vmem>>
      %dma_start3A_506 = tpu.memref_squeeze %dma_start3A_505 : memref<1x16x1024xf32, #tpu.memory_space<vmem>> -> memref<16x1024xf32, #tpu.memory_space<vmem>>
      %dma_start3A_507 = arith.constant 0 : i32
      %dma_start3A_508 = tpu.memref_slice %arg4[%add3A_501, %dma_start3A_507] : memref<16384x1024xf32, #tpu.memory_space<hbm>> -> memref<16x1024xf32, #tpu.memory_space<hbm>>
      %dma_start3A_509 = arith.constant 0 : i32
      %dma_start3A_510 = tpu.memref_slice %arg4[%add3A_501, %dma_start3A_509] : memref<16384x1024xf32, #tpu.memory_space<hbm>> -> memref<16x1024xf32, #tpu.memory_space<hbm>>
      %dma_start3A_511 = arith.constant 0 : i32
      %dma_start3A_512 = arith.constant 0 : i32
      %dma_start3A_513 = tpu.memref_slice %arg6[%dma_start3A_502, %dma_start3A_511, %dma_start3A_512] : memref<4x16x1024xf32, #tpu.memory_space<vmem>> -> memref<1x16x1024xf32, #tpu.memory_space<vmem>>
      %dma_start3A_514 = tpu.memref_squeeze %dma_start3A_513 : memref<1x16x1024xf32, #tpu.memory_space<vmem>> -> memref<16x1024xf32, #tpu.memory_space<vmem>>
      tpu.enqueue_dma source(%dma_start3A_514 : memref<16x1024xf32, #tpu.memory_space<vmem>>) target(%dma_start3A_510 : memref<16x1024xf32, #tpu.memory_space<hbm>>) target_semaphore(%arg11 : memref<!tpu.dma_semaphore, #tpu.memory_space<semaphore_mem>>)
      %sub3A_515 = arith.constant 1 : i32
      %sub3A_516 = arith.subi %add3A_485, %sub3A_515 : i32
      %mul3A_517 = arith.constant 16 : i32
      %mul3A_518 = arith.muli %sub3A_516, %mul3A_517 : i32
      %multiple_of3A_519 = tpu.assume_multiple %mul3A_518, 16 : i32
      %add3A_520 = arith.addi %multiple_of3A, %multiple_of3A_519 : i32
      %dma_wait3A_521 = arith.constant 3 : i32
      %dma_wait3A_522 = arith.constant 0 : i32
      %dma_wait3A_523 = arith.constant 0 : i32
      %dma_wait3A_524 = tpu.memref_slice %arg6[%dma_wait3A_521, %dma_wait3A_522, %dma_wait3A_523] : memref<4x16x1024xf32, #tpu.memory_space<vmem>> -> memref<1x16x1024xf32, #tpu.memory_space<vmem>>
      %dma_wait3A_525 = tpu.memref_squeeze %dma_wait3A_524 : memref<1x16x1024xf32, #tpu.memory_space<vmem>> -> memref<16x1024xf32, #tpu.memory_space<vmem>>
      %dma_wait3A_526 = arith.constant 0 : i32
      %dma_wait3A_527 = tpu.memref_slice %arg4[%add3A_520, %dma_wait3A_526] : memref<16384x1024xf32, #tpu.memory_space<hbm>> -> memref<16x1024xf32, #tpu.memory_space<hbm>>
      %dma_wait3A_528 = arith.constant 0 : i32
      %dma_wait3A_529 = tpu.memref_slice %arg4[%add3A_520, %dma_wait3A_528] : memref<16384x1024xf32, #tpu.memory_space<hbm>> -> memref<16x1024xf32, #tpu.memory_space<hbm>>
      %dma_wait3A_530 = arith.constant 0 : i32
      %dma_wait3A_531 = arith.constant 0 : i32
      %dma_wait3A_532 = tpu.memref_slice %arg6[%dma_wait3A_521, %dma_wait3A_530, %dma_wait3A_531] : memref<4x16x1024xf32, #tpu.memory_space<vmem>> -> memref<1x16x1024xf32, #tpu.memory_space<vmem>>
      %dma_wait3A_533 = tpu.memref_squeeze %dma_wait3A_532 : memref<1x16x1024xf32, #tpu.memory_space<vmem>> -> memref<16x1024xf32, #tpu.memory_space<vmem>>
      tpu.wait_dma2 semaphore(%arg14 : memref<!tpu.dma_semaphore, #tpu.memory_space<semaphore_mem>>) src(%dma_wait3A_533 : memref<16x1024xf32, #tpu.memory_space<vmem>>) dst(%dma_wait3A_529 : memref<16x1024xf32, #tpu.memory_space<hbm>>)
      %add3A_534 = arith.constant 3 : i32
      %add3A_535 = arith.addi %add3A_485, %add3A_534 : i32
      %mul3A_536 = arith.constant 16 : i32
      %mul3A_537 = arith.muli %add3A_535, %mul3A_536 : i32
      %multiple_of3A_538 = tpu.assume_multiple %mul3A_537, 16 : i32
      %dma_start3A_539 = arith.constant 3 : i32
      %dma_start3A_540 = arith.constant 0 : i32
      %dma_start3A_541 = arith.constant 0 : i32
      %dma_start3A_542 = tpu.memref_slice %arg6[%dma_start3A_539, %dma_start3A_540, %dma_start3A_541] : memref<4x16x1024xf32, #tpu.memory_space<vmem>> -> memref<1x16x1024xf32, #tpu.memory_space<vmem>>
      %dma_start3A_543 = tpu.memref_squeeze %dma_start3A_542 : memref<1x16x1024xf32, #tpu.memory_space<vmem>> -> memref<16x1024xf32, #tpu.memory_space<vmem>>
      %dma_start3A_544 = tpu.memref_slice %arg5[%multiple_of3A_538] : memref<512xi32, #tpu.memory_space<vmem>> -> memref<16xi32, #tpu.memory_space<vmem>>
      %dma_start3A_545 = arith.constant 0 : i32
      %dma_start3A_546 = arith.constant 0 : i32
      %dma_start3A_547 = tpu.memref_slice %arg3[%dma_start3A_545, %dma_start3A_546] : memref<100000x1024xf32, #tpu.memory_space<hbm>> -> memref<100000x1024xf32, #tpu.memory_space<hbm>>
      tpu.enqueue_indirect_dma source(%dma_start3A_547 : memref<100000x1024xf32, #tpu.memory_space<hbm>>) target(%dma_start3A_543 : memref<16x1024xf32, #tpu.memory_space<vmem>>) offsets(%dma_start3A_544 : memref<16xi32, #tpu.memory_space<vmem>>) semaphore(%arg10 : memref<!tpu.dma_semaphore, #tpu.memory_space<semaphore_mem>>)
    }
    %scan3A_121 = arith.constant 7 : i32
    %mul3A_122 = arith.constant 29 : i32
    %mul3A_123 = arith.constant 16 : i32
    %mul3A_124 = arith.muli %mul3A_122, %mul3A_123 : i32
    %multiple_of3A_125 = tpu.assume_multiple %mul3A_124, 16 : i32
    %dma_wait3A_126 = arith.constant 1 : i32
    %dma_wait3A_127 = arith.constant 0 : i32
    %dma_wait3A_128 = arith.constant 0 : i32
    %dma_wait3A_129 = tpu.memref_slice %arg6[%dma_wait3A_126, %dma_wait3A_127, %dma_wait3A_128] : memref<4x16x1024xf32, #tpu.memory_space<vmem>> -> memref<1x16x1024xf32, #tpu.memory_space<vmem>>
    %dma_wait3A_130 = tpu.memref_squeeze %dma_wait3A_129 : memref<1x16x1024xf32, #tpu.memory_space<vmem>> -> memref<16x1024xf32, #tpu.memory_space<vmem>>
    %dma_wait3A_131 = tpu.memref_slice %arg5[%multiple_of3A_125] : memref<512xi32, #tpu.memory_space<vmem>> -> memref<16xi32, #tpu.memory_space<vmem>>
    %dma_wait3A_132 = arith.constant 0 : i32
    %dma_wait3A_133 = arith.constant 0 : i32
    %dma_wait3A_134 = tpu.memref_slice %arg3[%dma_wait3A_132, %dma_wait3A_133] : memref<100000x1024xf32, #tpu.memory_space<hbm>> -> memref<100000x1024xf32, #tpu.memory_space<hbm>>
    tpu.wait_indirect_dma semaphore(%arg8 : memref<!tpu.dma_semaphore, #tpu.memory_space<semaphore_mem>>) src(%dma_wait3A_134 : memref<100000x1024xf32, #tpu.memory_space<hbm>>) dst(%dma_wait3A_130 : memref<16x1024xf32, #tpu.memory_space<vmem>>)
    %mul3A_135 = arith.constant 29 : i32
    %mul3A_136 = arith.constant 16 : i32
    %mul3A_137 = arith.muli %mul3A_135, %mul3A_136 : i32
    %multiple_of3A_138 = tpu.assume_multiple %mul3A_137, 16 : i32
    %add3A_139 = arith.addi %multiple_of3A, %multiple_of3A_138 : i32
    %dma_start3A_140 = arith.constant 1 : i32
    %dma_start3A_141 = arith.constant 0 : i32
    %dma_start3A_142 = arith.constant 0 : i32
    %dma_start3A_143 = tpu.memref_slice %arg6[%dma_start3A_140, %dma_start3A_141, %dma_start3A_142] : memref<4x16x1024xf32, #tpu.memory_space<vmem>> -> memref<1x16x1024xf32, #tpu.memory_space<vmem>>
    %dma_start3A_144 = tpu.memref_squeeze %dma_start3A_143 : memref<1x16x1024xf32, #tpu.memory_space<vmem>> -> memref<16x1024xf32, #tpu.memory_space<vmem>>
    %dma_start3A_145 = arith.constant 0 : i32
    %dma_start3A_146 = tpu.memref_slice %arg4[%add3A_139, %dma_start3A_145] : memref<16384x1024xf32, #tpu.memory_space<hbm>> -> memref<16x1024xf32, #tpu.memory_space<hbm>>
    %dma_start3A_147 = arith.constant 0 : i32
    %dma_start3A_148 = tpu.memref_slice %arg4[%add3A_139, %dma_start3A_147] : memref<16384x1024xf32, #tpu.memory_space<hbm>> -> memref<16x1024xf32, #tpu.memory_space<hbm>>
    %dma_start3A_149 = arith.constant 0 : i32
    %dma_start3A_150 = arith.constant 0 : i32
    %dma_start3A_151 = tpu.memref_slice %arg6[%dma_start3A_140, %dma_start3A_149, %dma_start3A_150] : memref<4x16x1024xf32, #tpu.memory_space<vmem>> -> memref<1x16x1024xf32, #tpu.memory_space<vmem>>
    %dma_start3A_152 = tpu.memref_squeeze %dma_start3A_151 : memref<1x16x1024xf32, #tpu.memory_space<vmem>> -> memref<16x1024xf32, #tpu.memory_space<vmem>>
    tpu.enqueue_dma source(%dma_start3A_152 : memref<16x1024xf32, #tpu.memory_space<vmem>>) target(%dma_start3A_148 : memref<16x1024xf32, #tpu.memory_space<hbm>>) target_semaphore(%arg12 : memref<!tpu.dma_semaphore, #tpu.memory_space<semaphore_mem>>)
    %mul3A_153 = arith.constant 30 : i32
    %mul3A_154 = arith.constant 16 : i32
    %mul3A_155 = arith.muli %mul3A_153, %mul3A_154 : i32
    %multiple_of3A_156 = tpu.assume_multiple %mul3A_155, 16 : i32
    %dma_wait3A_157 = arith.constant 2 : i32
    %dma_wait3A_158 = arith.constant 0 : i32
    %dma_wait3A_159 = arith.constant 0 : i32
    %dma_wait3A_160 = tpu.memref_slice %arg6[%dma_wait3A_157, %dma_wait3A_158, %dma_wait3A_159] : memref<4x16x1024xf32, #tpu.memory_space<vmem>> -> memref<1x16x1024xf32, #tpu.memory_space<vmem>>
    %dma_wait3A_161 = tpu.memref_squeeze %dma_wait3A_160 : memref<1x16x1024xf32, #tpu.memory_space<vmem>> -> memref<16x1024xf32, #tpu.memory_space<vmem>>
    %dma_wait3A_162 = tpu.memref_slice %arg5[%multiple_of3A_156] : memref<512xi32, #tpu.memory_space<vmem>> -> memref<16xi32, #tpu.memory_space<vmem>>
    %dma_wait3A_163 = arith.constant 0 : i32
    %dma_wait3A_164 = arith.constant 0 : i32
    %dma_wait3A_165 = tpu.memref_slice %arg3[%dma_wait3A_163, %dma_wait3A_164] : memref<100000x1024xf32, #tpu.memory_space<hbm>> -> memref<100000x1024xf32, #tpu.memory_space<hbm>>
    tpu.wait_indirect_dma semaphore(%arg9 : memref<!tpu.dma_semaphore, #tpu.memory_space<semaphore_mem>>) src(%dma_wait3A_165 : memref<100000x1024xf32, #tpu.memory_space<hbm>>) dst(%dma_wait3A_161 : memref<16x1024xf32, #tpu.memory_space<vmem>>)
    %mul3A_166 = arith.constant 30 : i32
    %mul3A_167 = arith.constant 16 : i32
    %mul3A_168 = arith.muli %mul3A_166, %mul3A_167 : i32
    %multiple_of3A_169 = tpu.assume_multiple %mul3A_168, 16 : i32
    %add3A_170 = arith.addi %multiple_of3A, %multiple_of3A_169 : i32
    %dma_start3A_171 = arith.constant 2 : i32
    %dma_start3A_172 = arith.constant 0 : i32
    %dma_start3A_173 = arith.constant 0 : i32
    %dma_start3A_174 = tpu.memref_slice %arg6[%dma_start3A_171, %dma_start3A_172, %dma_start3A_173] : memref<4x16x1024xf32, #tpu.memory_space<vmem>> -> memref<1x16x1024xf32, #tpu.memory_space<vmem>>
    %dma_start3A_175 = tpu.memref_squeeze %dma_start3A_174 : memref<1x16x1024xf32, #tpu.memory_space<vmem>> -> memref<16x1024xf32, #tpu.memory_space<vmem>>
    %dma_start3A_176 = arith.constant 0 : i32
    %dma_start3A_177 = tpu.memref_slice %arg4[%add3A_170, %dma_start3A_176] : memref<16384x1024xf32, #tpu.memory_space<hbm>> -> memref<16x1024xf32, #tpu.memory_space<hbm>>
    %dma_start3A_178 = arith.constant 0 : i32
    %dma_start3A_179 = tpu.memref_slice %arg4[%add3A_170, %dma_start3A_178] : memref<16384x1024xf32, #tpu.memory_space<hbm>> -> memref<16x1024xf32, #tpu.memory_space<hbm>>
    %dma_start3A_180 = arith.constant 0 : i32
    %dma_start3A_181 = arith.constant 0 : i32
    %dma_start3A_182 = tpu.memref_slice %arg6[%dma_start3A_171, %dma_start3A_180, %dma_start3A_181] : memref<4x16x1024xf32, #tpu.memory_space<vmem>> -> memref<1x16x1024xf32, #tpu.memory_space<vmem>>
    %dma_start3A_183 = tpu.memref_squeeze %dma_start3A_182 : memref<1x16x1024xf32, #tpu.memory_space<vmem>> -> memref<16x1024xf32, #tpu.memory_space<vmem>>
    tpu.enqueue_dma source(%dma_start3A_183 : memref<16x1024xf32, #tpu.memory_space<vmem>>) target(%dma_start3A_179 : memref<16x1024xf32, #tpu.memory_space<hbm>>) target_semaphore(%arg13 : memref<!tpu.dma_semaphore, #tpu.memory_space<semaphore_mem>>)
    %mul3A_184 = arith.constant 31 : i32
    %mul3A_185 = arith.constant 16 : i32
    %mul3A_186 = arith.muli %mul3A_184, %mul3A_185 : i32
    %multiple_of3A_187 = tpu.assume_multiple %mul3A_186, 16 : i32
    %dma_wait3A_188 = arith.constant 3 : i32
    %dma_wait3A_189 = arith.constant 0 : i32
    %dma_wait3A_190 = arith.constant 0 : i32
    %dma_wait3A_191 = tpu.memref_slice %arg6[%dma_wait3A_188, %dma_wait3A_189, %dma_wait3A_190] : memref<4x16x1024xf32, #tpu.memory_space<vmem>> -> memref<1x16x1024xf32, #tpu.memory_space<vmem>>
    %dma_wait3A_192 = tpu.memref_squeeze %dma_wait3A_191 : memref<1x16x1024xf32, #tpu.memory_space<vmem>> -> memref<16x1024xf32, #tpu.memory_space<vmem>>
    %dma_wait3A_193 = tpu.memref_slice %arg5[%multiple_of3A_187] : memref<512xi32, #tpu.memory_space<vmem>> -> memref<16xi32, #tpu.memory_space<vmem>>
    %dma_wait3A_194 = arith.constant 0 : i32
    %dma_wait3A_195 = arith.constant 0 : i32
    %dma_wait3A_196 = tpu.memref_slice %arg3[%dma_wait3A_194, %dma_wait3A_195] : memref<100000x1024xf32, #tpu.memory_space<hbm>> -> memref<100000x1024xf32, #tpu.memory_space<hbm>>
    tpu.wait_indirect_dma semaphore(%arg10 : memref<!tpu.dma_semaphore, #tpu.memory_space<semaphore_mem>>) src(%dma_wait3A_196 : memref<100000x1024xf32, #tpu.memory_space<hbm>>) dst(%dma_wait3A_192 : memref<16x1024xf32, #tpu.memory_space<vmem>>)
    %mul3A_197 = arith.constant 31 : i32
    %mul3A_198 = arith.constant 16 : i32
    %mul3A_199 = arith.muli %mul3A_197, %mul3A_198 : i32
    %multiple_of3A_200 = tpu.assume_multiple %mul3A_199, 16 : i32
    %add3A_201 = arith.addi %multiple_of3A, %multiple_of3A_200 : i32
    %dma_start3A_202 = arith.constant 3 : i32
    %dma_start3A_203 = arith.constant 0 : i32
    %dma_start3A_204 = arith.constant 0 : i32
    %dma_start3A_205 = tpu.memref_slice %arg6[%dma_start3A_202, %dma_start3A_203, %dma_start3A_204] : memref<4x16x1024xf32, #tpu.memory_space<vmem>> -> memref<1x16x1024xf32, #tpu.memory_space<vmem>>
    %dma_start3A_206 = tpu.memref_squeeze %dma_start3A_205 : memref<1x16x1024xf32, #tpu.memory_space<vmem>> -> memref<16x1024xf32, #tpu.memory_space<vmem>>
    %dma_start3A_207 = arith.constant 0 : i32
    %dma_start3A_208 = tpu.memref_slice %arg4[%add3A_201, %dma_start3A_207] : memref<16384x1024xf32, #tpu.memory_space<hbm>> -> memref<16x1024xf32, #tpu.memory_space<hbm>>
    %dma_start3A_209 = arith.constant 0 : i32
    %dma_start3A_210 = tpu.memref_slice %arg4[%add3A_201, %dma_start3A_209] : memref<16384x1024xf32, #tpu.memory_space<hbm>> -> memref<16x1024xf32, #tpu.memory_space<hbm>>
    %dma_start3A_211 = arith.constant 0 : i32
    %dma_start3A_212 = arith.constant 0 : i32
    %dma_start3A_213 = tpu.memref_slice %arg6[%dma_start3A_202, %dma_start3A_211, %dma_start3A_212] : memref<4x16x1024xf32, #tpu.memory_space<vmem>> -> memref<1x16x1024xf32, #tpu.memory_space<vmem>>
    %dma_start3A_214 = tpu.memref_squeeze %dma_start3A_213 : memref<1x16x1024xf32, #tpu.memory_space<vmem>> -> memref<16x1024xf32, #tpu.memory_space<vmem>>
    tpu.enqueue_dma source(%dma_start3A_214 : memref<16x1024xf32, #tpu.memory_space<vmem>>) target(%dma_start3A_210 : memref<16x1024xf32, #tpu.memory_space<hbm>>) target_semaphore(%arg14 : memref<!tpu.dma_semaphore, #tpu.memory_space<semaphore_mem>>)
    %mul3A_215 = arith.constant 28 : i32
    %mul3A_216 = arith.constant 16 : i32
    %mul3A_217 = arith.muli %mul3A_215, %mul3A_216 : i32
    %multiple_of3A_218 = tpu.assume_multiple %mul3A_217, 16 : i32
    %add3A_219 = arith.addi %multiple_of3A, %multiple_of3A_218 : i32
    %dma_wait3A_220 = arith.constant 0 : i32
    %dma_wait3A_221 = arith.constant 0 : i32
    %dma_wait3A_222 = arith.constant 0 : i32
    %dma_wait3A_223 = tpu.memref_slice %arg6[%dma_wait3A_220, %dma_wait3A_221, %dma_wait3A_222] : memref<4x16x1024xf32, #tpu.memory_space<vmem>> -> memref<1x16x1024xf32, #tpu.memory_space<vmem>>
    %dma_wait3A_224 = tpu.memref_squeeze %dma_wait3A_223 : memref<1x16x1024xf32, #tpu.memory_space<vmem>> -> memref<16x1024xf32, #tpu.memory_space<vmem>>
    %dma_wait3A_225 = arith.constant 0 : i32
    %dma_wait3A_226 = tpu.memref_slice %arg4[%add3A_219, %dma_wait3A_225] : memref<16384x1024xf32, #tpu.memory_space<hbm>> -> memref<16x1024xf32, #tpu.memory_space<hbm>>
    %dma_wait3A_227 = arith.constant 0 : i32
    %dma_wait3A_228 = tpu.memref_slice %arg4[%add3A_219, %dma_wait3A_227] : memref<16384x1024xf32, #tpu.memory_space<hbm>> -> memref<16x1024xf32, #tpu.memory_space<hbm>>
    %dma_wait3A_229 = arith.constant 0 : i32
    %dma_wait3A_230 = arith.constant 0 : i32
    %dma_wait3A_231 = tpu.memref_slice %arg6[%dma_wait3A_220, %dma_wait3A_229, %dma_wait3A_230] : memref<4x16x1024xf32, #tpu.memory_space<vmem>> -> memref<1x16x1024xf32, #tpu.memory_space<vmem>>
    %dma_wait3A_232 = tpu.memref_squeeze %dma_wait3A_231 : memref<1x16x1024xf32, #tpu.memory_space<vmem>> -> memref<16x1024xf32, #tpu.memory_space<vmem>>
    tpu.wait_dma2 semaphore(%arg11 : memref<!tpu.dma_semaphore, #tpu.memory_space<semaphore_mem>>) src(%dma_wait3A_232 : memref<16x1024xf32, #tpu.memory_space<vmem>>) dst(%dma_wait3A_228 : memref<16x1024xf32, #tpu.memory_space<hbm>>)
    %mul3A_233 = arith.constant 29 : i32
    %mul3A_234 = arith.constant 16 : i32
    %mul3A_235 = arith.muli %mul3A_233, %mul3A_234 : i32
    %multiple_of3A_236 = tpu.assume_multiple %mul3A_235, 16 : i32
    %add3A_237 = arith.addi %multiple_of3A, %multiple_of3A_236 : i32
    %dma_wait3A_238 = arith.constant 1 : i32
    %dma_wait3A_239 = arith.constant 0 : i32
    %dma_wait3A_240 = arith.constant 0 : i32
    %dma_wait3A_241 = tpu.memref_slice %arg6[%dma_wait3A_238, %dma_wait3A_239, %dma_wait3A_240] : memref<4x16x1024xf32, #tpu.memory_space<vmem>> -> memref<1x16x1024xf32, #tpu.memory_space<vmem>>
    %dma_wait3A_242 = tpu.memref_squeeze %dma_wait3A_241 : memref<1x16x1024xf32, #tpu.memory_space<vmem>> -> memref<16x1024xf32, #tpu.memory_space<vmem>>
    %dma_wait3A_243 = arith.constant 0 : i32
    %dma_wait3A_244 = tpu.memref_slice %arg4[%add3A_237, %dma_wait3A_243] : memref<16384x1024xf32, #tpu.memory_space<hbm>> -> memref<16x1024xf32, #tpu.memory_space<hbm>>
    %dma_wait3A_245 = arith.constant 0 : i32
    %dma_wait3A_246 = tpu.memref_slice %arg4[%add3A_237, %dma_wait3A_245] : memref<16384x1024xf32, #tpu.memory_space<hbm>> -> memref<16x1024xf32, #tpu.memory_space<hbm>>
    %dma_wait3A_247 = arith.constant 0 : i32
    %dma_wait3A_248 = arith.constant 0 : i32
    %dma_wait3A_249 = tpu.memref_slice %arg6[%dma_wait3A_238, %dma_wait3A_247, %dma_wait3A_248] : memref<4x16x1024xf32, #tpu.memory_space<vmem>> -> memref<1x16x1024xf32, #tpu.memory_space<vmem>>
    %dma_wait3A_250 = tpu.memref_squeeze %dma_wait3A_249 : memref<1x16x1024xf32, #tpu.memory_space<vmem>> -> memref<16x1024xf32, #tpu.memory_space<vmem>>
    tpu.wait_dma2 semaphore(%arg12 : memref<!tpu.dma_semaphore, #tpu.memory_space<semaphore_mem>>) src(%dma_wait3A_250 : memref<16x1024xf32, #tpu.memory_space<vmem>>) dst(%dma_wait3A_246 : memref<16x1024xf32, #tpu.memory_space<hbm>>)
    %mul3A_251 = arith.constant 30 : i32
    %mul3A_252 = arith.constant 16 : i32
    %mul3A_253 = arith.muli %mul3A_251, %mul3A_252 : i32
    %multiple_of3A_254 = tpu.assume_multiple %mul3A_253, 16 : i32
    %add3A_255 = arith.addi %multiple_of3A, %multiple_of3A_254 : i32
    %dma_wait3A_256 = arith.constant 2 : i32
    %dma_wait3A_257 = arith.constant 0 : i32
    %dma_wait3A_258 = arith.constant 0 : i32
    %dma_wait3A_259 = tpu.memref_slice %arg6[%dma_wait3A_256, %dma_wait3A_257, %dma_wait3A_258] : memref<4x16x1024xf32, #tpu.memory_space<vmem>> -> memref<1x16x1024xf32, #tpu.memory_space<vmem>>
    %dma_wait3A_260 = tpu.memref_squeeze %dma_wait3A_259 : memref<1x16x1024xf32, #tpu.memory_space<vmem>> -> memref<16x1024xf32, #tpu.memory_space<vmem>>
    %dma_wait3A_261 = arith.constant 0 : i32
    %dma_wait3A_262 = tpu.memref_slice %arg4[%add3A_255, %dma_wait3A_261] : memref<16384x1024xf32, #tpu.memory_space<hbm>> -> memref<16x1024xf32, #tpu.memory_space<hbm>>
    %dma_wait3A_263 = arith.constant 0 : i32
    %dma_wait3A_264 = tpu.memref_slice %arg4[%add3A_255, %dma_wait3A_263] : memref<16384x1024xf32, #tpu.memory_space<hbm>> -> memref<16x1024xf32, #tpu.memory_space<hbm>>
    %dma_wait3A_265 = arith.constant 0 : i32
    %dma_wait3A_266 = arith.constant 0 : i32
    %dma_wait3A_267 = tpu.memref_slice %arg6[%dma_wait3A_256, %dma_wait3A_265, %dma_wait3A_266] : memref<4x16x1024xf32, #tpu.memory_space<vmem>> -> memref<1x16x1024xf32, #tpu.memory_space<vmem>>
    %dma_wait3A_268 = tpu.memref_squeeze %dma_wait3A_267 : memref<1x16x1024xf32, #tpu.memory_space<vmem>> -> memref<16x1024xf32, #tpu.memory_space<vmem>>
    tpu.wait_dma2 semaphore(%arg13 : memref<!tpu.dma_semaphore, #tpu.memory_space<semaphore_mem>>) src(%dma_wait3A_268 : memref<16x1024xf32, #tpu.memory_space<vmem>>) dst(%dma_wait3A_264 : memref<16x1024xf32, #tpu.memory_space<hbm>>)
    %mul3A_269 = arith.constant 31 : i32
    %mul3A_270 = arith.constant 16 : i32
    %mul3A_271 = arith.muli %mul3A_269, %mul3A_270 : i32
    %multiple_of3A_272 = tpu.assume_multiple %mul3A_271, 16 : i32
    %add3A_273 = arith.addi %multiple_of3A, %multiple_of3A_272 : i32
    %dma_wait3A_274 = arith.constant 3 : i32
    %dma_wait3A_275 = arith.constant 0 : i32
    %dma_wait3A_276 = arith.constant 0 : i32
    %dma_wait3A_277 = tpu.memref_slice %arg6[%dma_wait3A_274, %dma_wait3A_275, %dma_wait3A_276] : memref<4x16x1024xf32, #tpu.memory_space<vmem>> -> memref<1x16x1024xf32, #tpu.memory_space<vmem>>
    %dma_wait3A_278 = tpu.memref_squeeze %dma_wait3A_277 : memref<1x16x1024xf32, #tpu.memory_space<vmem>> -> memref<16x1024xf32, #tpu.memory_space<vmem>>
    %dma_wait3A_279 = arith.constant 0 : i32
    %dma_wait3A_280 = tpu.memref_slice %arg4[%add3A_273, %dma_wait3A_279] : memref<16384x1024xf32, #tpu.memory_space<hbm>> -> memref<16x1024xf32, #tpu.memory_space<hbm>>
    %dma_wait3A_281 = arith.constant 0 : i32
    %dma_wait3A_282 = tpu.memref_slice %arg4[%add3A_273, %dma_wait3A_281] : memref<16384x1024xf32, #tpu.memory_space<hbm>> -> memref<16x1024xf32, #tpu.memory_space<hbm>>
    %dma_wait3A_283 = arith.constant 0 : i32
    %dma_wait3A_284 = arith.constant 0 : i32
    %dma_wait3A_285 = tpu.memref_slice %arg6[%dma_wait3A_274, %dma_wait3A_283, %dma_wait3A_284] : memref<4x16x1024xf32, #tpu.memory_space<vmem>> -> memref<1x16x1024xf32, #tpu.memory_space<vmem>>
    %dma_wait3A_286 = tpu.memref_squeeze %dma_wait3A_285 : memref<1x16x1024xf32, #tpu.memory_space<vmem>> -> memref<16x1024xf32, #tpu.memory_space<vmem>>
    tpu.wait_dma2 semaphore(%arg14 : memref<!tpu.dma_semaphore, #tpu.memory_space<semaphore_mem>>) src(%dma_wait3A_286 : memref<16x1024xf32, #tpu.memory_space<vmem>>) dst(%dma_wait3A_282 : memref<16x1024xf32, #tpu.memory_space<hbm>>)
    return
  }
}

</mosaic_0001>

<sc_bundles>
// kernel: kernel.3.cloned.1.call-start
scs
__scs_entry_jumppad:
0x0: {  	(pc) =	sbr.rel $0x88, $3  }
0x1: {  	(tag) =	ssettag $0x0;
	lr =	simm.s32 $0x1  }
0x2: {  	[smem:$0x3F9F] =	sst lr;
	_ =	strace $0xD0000000  }
0x3: {  	_ = 	snop  }
0x4: {  	_ = 	snop  }
0x5: {  	_ = 	snop  }
0x6: {  	_ = 	snop  }
0x7: {  	_ = 	snop  }
__scs_overlays_trampoline_lowered:
0x8: {  	[smem:$0x3FAE] =	sst s0  }
0x9: {  	[smem:$0x3FAF] =	sst s1  }
0xa: {  	[smem:$0x3FB0] =	sst s2  }
0xb: {  	[smem:$0x3FB1] =	sst s3  }
0xc: {  	[smem:$0x3FB2] =	sst s4  }
0xd: {  	[smem:$0x3FB3] =	sst s5  }
0xe: {  	[smem:$0x3FB4] =	sst s6  }
0xf: {  	[smem:$0x3FB5] =	sst s7  }
0x10: {  	[smem:$0x3FB6] =	sst s8  }
0x11: {  	[smem:$0x3FB7] =	sst s9;
	s0 =	simm.s32 @!p0 $0x0  }
0x12: {  	s1 =	sld [smem:$0x3F9D];
	s0 =	simm.s32 @p0 $0x1  }
0x13: {  	[smem:$0x3FB8] =	sst s0;
	s0 =	simm.s32 @!p1 $0x0  }
0x14: {  	s2 =	sld [smem:$0x3F9C];
	s0 =	simm.s32 @p1 $0x1  }
0x15: {  	[smem:$0x3FB9] =	sst s0;
	s0 =	simm.s32 @!p2 $0x0  }
0x16: {  	s3 =	sld [smem:$0x3FDB];
	s0 =	simm.s32 @p2 $0x1  }
0x17: {  	s4 =	simm.s32 $0x1BF5;
	[smem:$0x3FBB] =	sst s0  }
0x18: {  	s0 =	sld [smem:$0x3F9E];
	_ =	swait.ge [sflag:s4], $0x0  }
0x19: {  	s7 =	sld [smem:$0x3F9F]  }
0x1a: {  	s8 =	sadd.s32 $0xFFFFE003, lr  }
0x1b: {  	s9 =	sadd.s32 $0xFFFFFEF7, lr;
	s5 =	simm.s32 $0xFFFFFFFF;
	p2 =	slt.u32 s8, $0xFFFFF086  }
0x1c: {  	p1 =	slt.u32 s9, $0xF7A;
	s5 =	simm.s32 @!p2 $0x0  }
0x1d: {  	s5 =	simm.s32 @p1 $0x1;
	p0 =	seq.s32 s7, s2  }
0x1e: {  	s7 =	smul.u32 @!p0 $0xF7A, s2;
	p2 =	seq.s32 @!p0 s5, $0x0  }
0x1f: {  	s9 =	smul.u32 $0xF7A, s1;
	s8 =	simm.s32 @!p0 $0x1BF5;
	p2 =	por !p2, p0  }
0x20: {  	[sflag:s8] =	ssyncset.s32 @!p0 $0xFFFFF086;
	s6 =	sadd.s32 @!p0 s3, s7;
	s7 =	simm.s32 @!p0 $0x108  }
0x21: {  	s3 =	sadd.s32 s3, s9;
	s6 =	sadd.s32 @!p0 $0x88, s6;
	s7 =	simm.s32 @p2 $0x1082  }
0x22: {  	[simem:s7], [sflag:s8] =	dma.local @!p0 [hbm:s6], $0xF7A  }
0x23: {  	s9 =	sor.u32 $0xD0000000, s2;
	s6 =	simm.s32 $0x108;
	_ =	swait.ge @!p0 [sflag:s8], $0x0  }
0x24: {  	s3 =	sadd.s32 $0x88, s3;
	s6 =	simm.s32 @!p1 $0x1082;
	[sflag:s4] =	ssyncset.s32 $0xFFFFF086  }
0x25: {  	[simem:s6], [sflag:s4] =	dma.local [hbm:s3], $0xF7A  }
0x26: {  	[smem:$0x3F9F] =	sst s1;
	(tag) =	ssettag s2;
	_ =	strace s9  }
0x27: {  	s1 =	sld [smem:$0x3FAF]  }
0x28: {  	s2 =	sld [smem:$0x3FB0]  }
0x29: {  	s4 =	sld [smem:$0x3FB2]  }
0x2a: {  	p0 =	seq.s32 s5, $0x0;
	s5 =	sld [smem:$0x3FB3]  }
0x2b: {  	s6 =	sld [smem:$0x3FB4]  }
0x2c: {  	s7 =	sld [smem:$0x3FB5]  }
0x2d: {  	s3 =	simm.s32 $0x108;
	s8 =	sld [smem:$0x3FB6]  }
0x2e: {  	s3 =	simm.s32 @!p0 $0x1082;
	s9 =	sld [smem:$0x3FB7]  }
0x2f: {  	lr =	sadd.s32 s0, s3;
	s0 =	sld [smem:$0x3FAE]  }
0x30: {  	s3 =	sld [smem:$0x3FB1]  }
0x31: {  	[smem:$0x3FBA] =	sst s10  }
0x32: {  	s10 =	sld [smem:$0x3FB8];
	_ =	sdelay $0x3  }
0x33: {  	p0 =	seq.s32 s10, $0x1;
	s10 =	sld [smem:$0x3FBA];
	_ =	sdelay $0x3  }
0x34: {  	[smem:$0x3FBA] =	sst s10  }
0x35: {  	s10 =	sld [smem:$0x3FB9];
	_ =	sdelay $0x3  }
0x36: {  	p1 =	seq.s32 s10, $0x1;
	s10 =	sld [smem:$0x3FBA];
	_ =	sdelay $0x3  }
0x37: {  	[smem:$0x3FBA] =	sst s10  }
0x38: {  	s10 =	sld [smem:$0x3FBB]  }
0x39: {  	_ = 	snop;
	(pc) =	sbr.ind lr, $3  }
0x3a: {  	_ = 	snop  }
0x3b: {  	_ = 	snop  }
0x3c: {  	p2 =	seq.s32 s10, $0x1;
	s10 =	sld [smem:$0x3FBA]  }
0x3d: {  	_ =	shalt  }
0x3e: {  	_ =	shalt  }
0x3f: {  	_ =	shalt  }
0x40: {  	_ =	shalt  }
0x41: {  	_ =	shalt  }
0x42: {  	_ =	shalt  }
0x43: {  	_ =	shalt  }
0x44: {  	_ =	shalt  }
0x45: {  	_ =	shalt  }
0x46: {  	_ =	shalt  }
0x47: {  	_ =	shalt  }
0x48: {  	_ =	shalt  }
0x49: {  	_ =	shalt  }
0x4a: {  	_ =	shalt  }
0x4b: {  	_ =	shalt  }
0x4c: {  	_ =	shalt  }
0x4d: {  	_ =	shalt  }
0x4e: {  	_ =	shalt  }
0x4f: {  	_ =	shalt  }
0x50: {  	_ =	shalt  }
0x51: {  	_ =	shalt  }
0x52: {  	_ =	shalt  }
0x53: {  	_ =	shalt  }
0x54: {  	_ =	shalt  }
0x55: {  	_ =	shalt  }
0x56: {  	_ =	shalt  }
0x57: {  	_ =	shalt  }
0x58: {  	_ =	shalt  }
0x59: {  	_ =	shalt  }
0x5a: {  	_ =	shalt  }
0x5b: {  	_ =	shalt  }
0x5c: {  	_ =	shalt  }
0x5d: {  	_ =	shalt  }
0x5e: {  	_ =	shalt  }
0x5f: {  	_ =	shalt  }
0x60: {  	_ =	shalt  }
0x61: {  	_ =	shalt  }
0x62: {  	_ =	shalt  }
0x63: {  	_ =	shalt  }
0x64: {  	_ =	shalt  }
0x65: {  	_ =	shalt  }
0x66: {  	_ =	shalt  }
0x67: {  	_ =	shalt  }
0x68: {  	_ =	shalt  }
0x69: {  	_ =	shalt  }
0x6a: {  	_ =	shalt  }
0x6b: {  	_ =	shalt  }
0x6c: {  	_ =	shalt  }
0x6d: {  	_ =	shalt  }
0x6e: {  	_ =	shalt  }
0x6f: {  	_ =	shalt  }
0x70: {  	_ =	shalt  }
0x71: {  	_ =	shalt  }
0x72: {  	_ =	shalt  }
0x73: {  	_ =	shalt  }
0x74: {  	_ =	shalt  }
0x75: {  	_ =	shalt  }
0x76: {  	_ =	shalt  }
0x77: {  	_ =	shalt  }
0x78: {  	_ =	shalt  }
0x79: {  	_ =	shalt  }
0x7a: {  	_ =	shalt  }
0x7b: {  	_ =	shalt  }
0x7c: {  	_ =	shalt  }
0x7d: {  	_ =	shalt  }
0x7e: {  	_ =	shalt  }
0x7f: {  	_ =	shalt  }
0x80: {  	_ =	shalt  }
0x81: {  	_ =	shalt  }
0x82: {  	_ =	shalt  }
0x83: {  	_ =	shalt  }
0x84: {  	_ =	shalt  }
0x85: {  	_ =	shalt  }
0x86: {  	_ =	shalt  }
0x87: {  	_ =	shalt  }
.Lfunc_end0:
.L_simem_size_0:
called_computation_lowered:
.L_overlay_start_0:
0x88: {  	s2 =	sld [smem:$0x3FD9]  }
0x89: {  	s3 =	sld [smem:$0x3FFE];
	_ =	sdelay $0x1  }
0x8a: {  	s1 =	srdreg.scid  }
0x8b: {  	s0 =	sand.u32 $0x1, s1  }
0x8c: {  	s18 =	sshll.u32 s0, $0xA;
	s2 =	sadd.s32 s3, s2  }
0x8d: {  	s2 =	sadd.s32 s2, s18  }
0x8e: {  	[smem:$0x3FC6] =	sst s2  }
0x8f: {  	_ = 	snop  }
0x90: {  	s2 =	sld [smem:$0x3FC9]  }
0x91: {  	s19 =	sld [smem:$0x3FC8]  }
0x92: {  	s4 =	sld [smem:$0x3FD0];
	(tm) =	ssettm $0x1  }
0x93: {  	s5 =	sld [smem:$0x3FFB];
	_ =	sdelay $0x3  }
0x94: {  	_ =	strace s5  }
0x95: {  	s5 =	sld [smem:$0x3FFC];
	_ =	sdelay $0x3  }
0x96: {  	_ =	strace s5  }
0x97: {  	s5 =	sld [smem:$0x3FFD];
	_ =	sdelay $0x3  }
0x98: {  	_ =	strace s5  }
0x99: {  	_ =	strace $0x8FFFFFFF  }
0x9a: {  	s20 =	sld [smem:$0x3FDB];
	_ =	sdelay $0x1  }
0x9b: {  	s6 =	simm.s32 $_scs_section_size  }
0x9c: {  	s7 =	simm.s32 $_size__tile_overlayer_lowered;
	s8 =	simm.s32 $_tile_overlayer_lowered  }
0x9d: {  	s23 =	simm.s32 $0x1BFF;
	s22 =	sshll.u32 s8, $0x1;
	s5 =	sadd.s32 s6, s20  }
0x9e: {  	s9 =	simm.s32 $0x0;
	s21 =	sshll.u32 s7, $0x1;
	s7 =	sadd.s32 s22, s5  }
0x9f: {  	[timem:s9], [sflag:s23] =	dma.local [hbm:s7], s21  }
0xa0: {  	_ =	swait.ge [sflag:s23], s21  }
0xa1: {  	s6 =	ssub.s32 $0x0, s21;
	[sflag:s23] =	ssyncset.done $0x0  }
0xa2: {  	[sflag:s23] =	ssyncadd.s32 s6;
	_ =	sdelay $0x1  }
0xa3: {  	s24 =	simm.s32 $0x1B8B  }
0xa4: {  	_ =	swait.ge [sflag:s24], $0x1  }
0xa5: {  	[sflag:s24] =	ssyncset.done $0x0  }
0xa6: {  	s25 =	simm.s32 $0x1B8E;
	[sflag:s24] =	ssyncadd.s32 $0xFFFFFFFF  }
0xa7: {  	s26 =	simm.s32 $execute0_lowered;
	[smem:$0x3FD2] =	sst s25  }
0xa8: {  	s6 =	sshll.u32 s26, $0x1;
	_ =	strace $0x80000046;
	[dreg:$0x1] =	wrdreg $0xFFFFFFFF  }
0xa9: {  	s28 =	simm.s32 $_size_execute0_lowered;
	s5 =	sadd.s32 s5, s6;
	[dreg:$0x0] =	wrdreg $0x0  }
0xaa: {  	s6 =	sshll.u32 s28, $0x1;
	[dreg:$0x2] =	wrdreg s5  }
0xab: {  	[dreg:$0x3] =	wrdreg s6  }
0xac: {  	[dreg:$0x4] =	wrdreg $0xC0  }
0xad: {  	_ =	task [dreg:s9], $0x5FFFF  }
0xae: {  	[dreg:$0x1] =	wrdreg $0xFFFFFFFF  }
0xaf: {  	[dreg:$0x0] =	wrdreg $0x60  }
0xb0: {  	[dreg:$0x2] =	wrdreg s2  }
0xb1: {  	[dreg:$0x3] =	wrdreg s19  }
0xb2: {  	[dreg:$0x4] =	wrdreg s4  }
0xb3: {  	[dreg:$0x5] =	wrdreg $0x9  }
0xb4: {  	_ =	task.clear_ibuf [dreg:s9], $0x6FFFF;
	_ =	strace $0x90000046  }
0xb5: {  	s29 =	simm.s32 $0x9;
	_ =	strace $0x80000048  }
0xb6: {  	_ =	swait.ge [sflag:s29], $0x1  }
0xb7: {  	[sflag:s29] =	ssyncadd.s32 $0xFFFFFFFF  }
0xb8: {  	_ =	strace $0x90000048  }
0xb9: {  	_ =	sfence  }
0xba: {  	s30 =	sld [smem:$0x0];
	_ =	sdelay $0x2  }
0xbb: {  	s31 =	sshll.u32 s1, $0xD;
	s1 =	sshrl.u32 s1, $0x2  }
0xbc: {  	s3 =	sand.u32 $0x4000, s31;
	s1 =	sadd.s32 s1, s30  }
0xbd: {  	s0 =	sor.u32 s3, s0;
	s1 =	sshll.u32 s1, $0x11  }
0xbe: {  	s0 =	sor.u32 s1, s0  }
0xbf: {  	s0 =	sadd.s32 $0x8F2B, s0  }
0xc0: {  	[sflag:s0] =	ssyncadd.remote.s32 $0x1  }
0xc1: {  	_ =	sfence.sel $0xFFFF  }
0xc2: {  	[dreg:$0x0] =	wrdreg $0xFFFFFFFF;
	(pc) =	sbr.abs _section_cstart, $3  }
0xc3: {  	[dreg:$0x1] =	wrdreg $0xFFFFFFFF  }
0xc4: {  	_ =	task.clear_ibuf [dreg:s9], $0x2FFFF;
	_ =	strace $0x9FFFFFFF  }
0xc5: {  	(tm) =	ssettm $0x7FFFFFFF  }
tec
execute0_lowered:
.L_overlay_start_1:
0x0: {  	(tag) =	ssettag $0x1  }
0x1: {  	s0 =	rddreg [dreg:$0x0]  }
0x2: {  	s2 =	rddreg [dreg:$0x1]  }
0x3: {  	s1 =	rddreg [dreg:$0x2]  }
0x4: {  	s4 =	srdreg.scid;
	s10 =	stileid.u32  }
0x5: {  	s3 =	simm.s32 $0x0;
	s11 =	simm.s32 $0x1A00;
	s12 =	simm.s32 $0x2200  }
0x6: {  	s13 =	simm.s32 $0x2A00;
	s16 =	simm.s32 $0x3200;
	s17 =	simm.s32 $0x3A00  }
0x7: {  	s14 =	simm.s32 $0x8200;
	s15 =	simm.s32 $0xC200;
	s28 =	simm.s32 $0x6  }
0x8: {  	s29 =	simm.s32 $0x4;
	s30 =	simm.s32 $0x7;
	s31 =	simm.s32 $0x8  }
0x9: {  	s4 =	sand.u32 $0x1, s4;
	s5 =	sshll.u32 s10, $0x1;
	[smem:$0x7FF] =	sst s3  }
0xa: {  	s18 =	sshll.u32 s10, $0x2;
	s21 =	sshll.u32 s10, $0x11;
	s10 =	simm.s32 $0x1200  }
0xb: {  	s7 =	sor.u32 s4, s5;
	s6 =	ssub.s32 $0x2, s4;
	s5 =	sand.u32 $0x30, s18  }
0xc: {  	_ =	strace $0x80000047;
	s23 =	sshll.u32 s4, $0x10;
	s18 =	simm.s32 $0x4A00  }
0xd: {  	s4 =	simm.s32 $0x0;
	s8 =	sshll.u32 s7, $0x8;
	s9 =	sshrl.u32 s6, $0x1  }
0xe: {  	s0 =	sadd.s32 s0, s5;
	s5 =	sadd.s32 $0x100, s2;
	s19 =	sshll.u32 s7, $0x10  }
0xf: {  	s7 =	sadd.s32 $0x300, s2;
	s8 =	sand.u32 $0x700, s8;
	s20 =	sadd.s32 s1, s19  }
0x10: {  	s9 =	ssub.s32 s6, s9;
	s0 =	sadd.s32 s8, s0;
	[dreg:$0x6] =	wrdreg s20  }
0x11: {  	s6 =	sadd.s32 $0x200, s2;
	s22 =	sadd.s32 $0xE800, s20;
	[dreg:$0x5] =	wrdreg s0  }
0x12: {  	s19 =	simm.s32 $0x5200;
	s24 =	sadd.s32 $0xF000, s20;
	[dreg:$0x7] =	wrdreg s22  }
0x13: {  	s25 =	sadd.s32 $0xF800, s20;
	s26 =	smax.u32 s9, $0x1;
	[dreg:$0x8] =	wrdreg s24  }
0x14: {  	s9 =	simm.s32 $0xA00;
	s20 =	simm.s32 $0x5A00;
	[dreg:$0x9] =	wrdreg s25  }
0x15: {  	s8 =	simm.s32 $0x1;
	s0 =	sadd.s32 s21, s1;
	[dreg:$0xa] =	wrdreg s26  }
0x16: {  	v2 =	vlaneseq.u32;
	s21 =	simm.s32 $0x200;
	s22 =	simm.s32 $0x6A00;
	s24 =	simm.s32 $0x2  }
0x17: {  	vm0 =	vmmov $0xffff;
	v1 =	vshrl.u32 v2, $0x3;
	s25 =	simm.s32 $0x5;
	s26 =	simm.s32 $0x3;
	s0 =	sadd.s32 s23, s0  }
0x18: {  	v0 =	vand.u32 $0x7, v2;
	v2 =	vor.u32 $0x8, v2;
	v1 =	vmul.u32 $0x8, v1;
	s23 =	simm.s32 $0x6200;
	[dreg:$0x4] =	wrdreg s0;
	s0 =	simm.s32 $0x4200  }
.LBB2_1:
0x19: {  	[dreg:$0xb] =	wrdreg s4  }
0x1a: {  	s1 =	rddreg [dreg:$0x5];
	s4 =	simm.s32 $0x80  }
0x1b: {  	[tilespmem:s3], [sflag:$0x9] =	stream.strided.gather [hbm4b:s1+s4], $0x200, s21, s4, $0x38;
	[tilespmem:$0x10200] =	vst v63  }
0x1c: {  	s4 =	simm.s32 $0x9  }
0x1d: {  	_ =	swait.ge [sflag:s4], $0x200  }
0x1e: {  	[sflag:s4] =	ssyncset.done $0x0  }
0x1f: {  	[sflag:s4] =	ssyncadd.s32 $0xFFFFFE00  }
0x20: {  	v3 =	vld [tilespmem:$0x0];
	_ =	sdelay $0x4  }
0x21: {  	v4 =	vshll.u32 v3, $0x3  }
0x22: {  	v3 =	vand.u32 $0x7, v3;
	v4 =	vand.u32 $0xFFFFFFC0, v4  }
0x23: {  	v3 =	vor.u32 v3, v4  }
0x24: {  	v4 =	vperm.xlane v3, v0;
	_ =	sdelay $0x1  }
0x25: {  	v4 =	vadd.s32 v1, v4;
	_ =	sdelay $0x4  }
0x26: {  	[tilespmem:s21], [sflag:$0x1] =	stream.indirect_vreg.gather [hbm4b:s2+s3], $0x80, v4, vm0, $0xb8;
	[tilespmem:$0x10200] =	vst v63  }
0x27: {  	v3 =	vperm.xlane v3, v2  }
0x28: {  	[tilespmem:s9], [sflag:$0x1] =	stream.indirect_vreg.gather [hbm4b:s5+s3], $0x80, v4, vm0, $0xb8;
	[tilespmem:$0x10200] =	vst v63  }
0x29: {  	v3 =	vadd.s32 v1, v3  }
0x2a: {  	[tilespmem:s10], [sflag:$0x1] =	stream.indirect_vreg.gather [hbm4b:s6+s3], $0x80, v4, vm0, $0xb8;
	[tilespmem:$0x10200] =	vst v63  }
0x2b: {  	_ = 	snop  }
0x2c: {  	[tilespmem:s11], [sflag:$0x1] =	stream.indirect_vreg.gather [hbm4b:s7+s3], $0x80, v4, vm0, $0xb8;
	[tilespmem:$0x10200] =	vst v63  }
0x2d: {  	_ = 	snop  }
0x2e: {  	[tilespmem:s12], [sflag:$0x1] =	stream.indirect_vreg.gather [hbm4b:s2+s3], $0x80, v3, vm0, $0xb8;
	[tilespmem:$0x10200] =	vst v63  }
0x2f: {  	_ = 	snop  }
0x30: {  	[tilespmem:s13], [sflag:$0x1] =	stream.indirect_vreg.gather [hbm4b:s5+s3], $0x80, v3, vm0, $0xb8;
	[tilespmem:$0x10200] =	vst v63  }
0x31: {  	_ = 	snop  }
0x32: {  	[tilespmem:s16], [sflag:$0x1] =	stream.indirect_vreg.gather [hbm4b:s6+s3], $0x80, v3, vm0, $0xb8;
	[tilespmem:$0x10200] =	vst v63  }
0x33: {  	_ = 	snop  }
0x34: {  	[tilespmem:s17], [sflag:$0x1] =	stream.indirect_vreg.gather [hbm4b:s7+s3], $0x80, v3, vm0, $0xb8;
	[tilespmem:$0x10200] =	vst v63  }
0x35: {  	v3 =	vld [tilespmem:$0x10];
	_ =	sdelay $0x4  }
0x36: {  	v61 =	vshll.u32 v3, $0x3  }
0x37: {  	v3 =	vand.u32 $0x7, v3;
	v4 =	vand.u32 $0xFFFFFFC0, v61  }
0x38: {  	v3 =	vor.u32 v3, v4  }
0x39: {  	v4 =	vperm.xlane v3, v0;
	_ =	sdelay $0x1  }
0x3a: {  	v4 =	vadd.s32 v1, v4;
	_ =	sdelay $0x4  }
0x3b: {  	[tilespmem:s0], [sflag:$0x2] =	stream.indirect_vreg.gather [hbm4b:s2+s3], $0x80, v4, vm0, $0xb8;
	[tilespmem:$0x10200] =	vst v63  }
0x3c: {  	v3 =	vperm.xlane v3, v2  }
0x3d: {  	[tilespmem:s18], [sflag:$0x2] =	stream.indirect_vreg.gather [hbm4b:s5+s3], $0x80, v4, vm0, $0xb8;
	[tilespmem:$0x10200] =	vst v63  }
0x3e: {  	v3 =	vadd.s32 v1, v3  }
0x3f: {  	[tilespmem:s19], [sflag:$0x2] =	stream.indirect_vreg.gather [hbm4b:s6+s3], $0x80, v4, vm0, $0xb8;
	[tilespmem:$0x10200] =	vst v63  }
0x40: {  	_ = 	snop  }
0x41: {  	[tilespmem:s20], [sflag:$0x2] =	stream.indirect_vreg.gather [hbm4b:s7+s3], $0x80, v4, vm0, $0xb8;
	[tilespmem:$0x10200] =	vst v63  }
0x42: {  	_ = 	snop  }
0x43: {  	[tilespmem:s23], [sflag:$0x2] =	stream.indirect_vreg.gather [hbm4b:s2+s3], $0x80, v3, vm0, $0xb8;
	[tilespmem:$0x10200] =	vst v63  }
0x44: {  	_ = 	snop  }
0x45: {  	[tilespmem:s22], [sflag:$0x2] =	stream.indirect_vreg.gather [hbm4b:s5+s3], $0x80, v3, vm0, $0xb8;
	[tilespmem:$0x10200] =	vst v63  }
0x46: {  	s4 =	simm.s32 $0x7200  }
0x47: {  	[tilespmem:s4], [sflag:$0x2] =	stream.indirect_vreg.gather [hbm4b:s6+s3], $0x80, v3, vm0, $0xb8;
	[tilespmem:$0x10200] =	vst v63  }
0x48: {  	s9 =	simm.s32 $0x7A00  }
0x49: {  	[tilespmem:s9], [sflag:$0x2] =	stream.indirect_vreg.gather [hbm4b:s7+s3], $0x80, v3, vm0, $0xb8;
	[tilespmem:$0x10200] =	vst v63  }
0x4a: {  	v3 =	vld [tilespmem:$0x20];
	_ =	sdelay $0x4  }
0x4b: {  	v62 =	vshll.u32 v3, $0x3  }
0x4c: {  	v3 =	vand.u32 $0x7, v3;
	v4 =	vand.u32 $0xFFFFFFC0, v62  }
0x4d: {  	v3 =	vor.u32 v3, v4  }
0x4e: {  	v4 =	vperm.xlane v3, v0;
	_ =	sdelay $0x1  }
0x4f: {  	v4 =	vadd.s32 v1, v4;
	_ =	sdelay $0x4  }
0x50: {  	[tilespmem:s14], [sflag:$0x3] =	stream.indirect_vreg.gather [hbm4b:s2+s3], $0x80, v4, vm0, $0xb8;
	[tilespmem:$0x10200] =	vst v63  }
0x51: {  	s10 =	simm.s32 $0x8A00;
	v3 =	vperm.xlane v3, v2  }
0x52: {  	[tilespmem:s10], [sflag:$0x3] =	stream.indirect_vreg.gather [hbm4b:s5+s3], $0x80, v4, vm0, $0xb8;
	[tilespmem:$0x10200] =	vst v63  }
0x53: {  	s11 =	simm.s32 $0x9200;
	v3 =	vadd.s32 v1, v3  }
0x54: {  	[tilespmem:s11], [sflag:$0x3] =	stream.indirect_vreg.gather [hbm4b:s6+s3], $0x80, v4, vm0, $0xb8;
	[tilespmem:$0x10200] =	vst v63  }
0x55: {  	s12 =	simm.s32 $0x9A00  }
0x56: {  	[tilespmem:s12], [sflag:$0x3] =	stream.indirect_vreg.gather [hbm4b:s7+s3], $0x80, v4, vm0, $0xb8;
	[tilespmem:$0x10200] =	vst v63  }
0x57: {  	s13 =	simm.s32 $0xA200  }
0x58: {  	[tilespmem:s13], [sflag:$0x3] =	stream.indirect_vreg.gather [hbm4b:s2+s3], $0x80, v3, vm0, $0xb8;
	[tilespmem:$0x10200] =	vst v63  }
0x59: {  	s14 =	simm.s32 $0xAA00  }
0x5a: {  	[tilespmem:s14], [sflag:$0x3] =	stream.indirect_vreg.gather [hbm4b:s5+s3], $0x80, v3, vm0, $0xb8;
	[tilespmem:$0x10200] =	vst v63  }
0x5b: {  	s16 =	simm.s32 $0xB200  }
0x5c: {  	[tilespmem:s16], [sflag:$0x3] =	stream.indirect_vreg.gather [hbm4b:s6+s3], $0x80, v3, vm0, $0xb8;
	[tilespmem:$0x10200] =	vst v63  }
0x5d: {  	s17 =	simm.s32 $0xBA00  }
0x5e: {  	[tilespmem:s17], [sflag:$0x3] =	stream.indirect_vreg.gather [hbm4b:s7+s3], $0x80, v3, vm0, $0xb8;
	[tilespmem:$0x10200] =	vst v63  }
0x5f: {  	_ =	swait.ge [sflag:s8], $0x4000  }
0x60: {  	[sflag:s8] =	ssyncset.done $0x0  }
0x61: {  	s18 =	rddreg [dreg:$0x6];
	[sflag:s8] =	ssyncadd.s32 $0xFFFFC000  }
0x62: {  	[hbm4b:s18+s3] =	stream.linear.scatter [tilespmem:s21], [sflag:$0x5], $0x4000, $0x38;
	[tilespmem:$0x10200] =	vst v63  }
0x63: {  	v3 =	vld [tilespmem:$0x30];
	_ =	sdelay $0x4  }
0x64: {  	v63 =	vshll.u32 v3, $0x3  }
0x65: {  	v3 =	vand.u32 $0x7, v3;
	v4 =	vand.u32 $0xFFFFFFC0, v63  }
0x66: {  	v3 =	vor.u32 v3, v4  }
0x67: {  	v4 =	vperm.xlane v3, v0;
	_ =	sdelay $0x1  }
0x68: {  	v4 =	vadd.s32 v1, v4;
	_ =	sdelay $0x4  }
0x69: {  	[tilespmem:s15], [sflag:$0x4] =	stream.indirect_vreg.gather [hbm4b:s2+s3], $0x80, v4, vm0, $0xb8;
	[tilespmem:$0x10200] =	vst v63  }
0x6a: {  	s19 =	simm.s32 $0xCA00;
	v3 =	vperm.xlane v3, v2  }
0x6b: {  	[tilespmem:s19], [sflag:$0x4] =	stream.indirect_vreg.gather [hbm4b:s5+s3], $0x80, v4, vm0, $0xb8;
	[tilespmem:$0x10200] =	vst v63  }
0x6c: {  	s20 =	simm.s32 $0xD200;
	v3 =	vadd.s32 v1, v3  }
0x6d: {  	[tilespmem:s20], [sflag:$0x4] =	stream.indirect_vreg.gather [hbm4b:s6+s3], $0x80, v4, vm0, $0xb8;
	[tilespmem:$0x10200] =	vst v63  }
0x6e: {  	s1 =	simm.s32 $0x70;
	s23 =	simm.s32 $0xEA00;
	s21 =	simm.s32 $0xDA00  }
0x6f: {  	[tilespmem:s21], [sflag:$0x4] =	stream.indirect_vreg.gather [hbm4b:s7+s3], $0x80, v4, vm0, $0xb8;
	[tilespmem:$0x10200] =	vst v63  }
0x70: {  	s22 =	simm.s32 $0xE200;
	s10 =	simm.s32 $0xA00;
	s11 =	simm.s32 $0xFA00  }
0x71: {  	[tilespmem:s22], [sflag:$0x4] =	stream.indirect_vreg.gather [hbm4b:s2+s3], $0x80, v3, vm0, $0xb8;
	[tilespmem:$0x10200] =	vst v63  }
0x72: {  	s12 =	simm.s32 $0x1A00;
	s13 =	simm.s32 $0x0;
	s16 =	simm.s32 $0x2200  }
0x73: {  	[tilespmem:s23], [sflag:$0x4] =	stream.indirect_vreg.gather [hbm4b:s5+s3], $0x80, v3, vm0, $0xb8;
	[tilespmem:$0x10200] =	vst v63  }
0x74: {  	s18 =	simm.s32 $0x3200;
	s19 =	simm.s32 $0x6A00;
	s21 =	simm.s32 $0xF200  }
0x75: {  	[tilespmem:s21], [sflag:$0x4] =	stream.indirect_vreg.gather [hbm4b:s6+s3], $0x80, v3, vm0, $0xb8;
	[tilespmem:$0x10200] =	vst v63  }
0x76: {  	s20 =	simm.s32 $0x4A00;
	s22 =	simm.s32 $0x5A00;
	s23 =	simm.s32 $0x200  }
0x77: {  	[tilespmem:s11], [sflag:$0x4] =	stream.indirect_vreg.gather [hbm4b:s7+s3], $0x80, v3, vm0, $0xb8;
	[tilespmem:$0x10200] =	vst v63  }
.LBB2_2:
0x78: {  	_ =	swait.ge [sflag:s24], $0x4000  }
0x79: {  	s4 =	rddreg [dreg:$0x4]  }
0x7a: {  	[sflag:s24] =	ssyncset.done $0x0;
	s4 =	sadd.s32 s13, s4  }
0x7b: {  	s14 =	simm.s32 $0x4200;
	[sflag:s24] =	ssyncadd.s32 $0xFFFFC000;
	s9 =	sadd.s32 $0x800, s4  }
0x7c: {  	[hbm4b:s9+s3] =	stream.linear.scatter [tilespmem:s14], [sflag:$0x6], $0x4000, $0x38;
	[tilespmem:$0x10200] =	vst v63  }
0x7d: {  	_ =	swait.ge [sflag:s25], $0x4000  }
0x7e: {  	[sflag:s25] =	ssyncset.done $0x0  }
0x7f: {  	[sflag:s25] =	ssyncadd.s32 $0xFFFFC000  }
0x80: {  	v3 =	vld [tilespmem:s1+$0xFFFFFFD0];
	_ =	sdelay $0x4  }
0x81: {  	v4 =	vshll.u32 v3, $0x3  }
0x82: {  	v3 =	vand.u32 $0x7, v3;
	v4 =	vand.u32 $0xFFFFFFC0, v4  }
0x83: {  	v3 =	vor.u32 v3, v4  }
0x84: {  	v4 =	vperm.xlane v3, v0;
	_ =	sdelay $0x1  }
0x85: {  	v4 =	vadd.s32 v1, v4;
	_ =	sdelay $0x4  }
0x86: {  	[tilespmem:s23], [sflag:$0x1] =	stream.indirect_vreg.gather [hbm4b:s2+s3], $0x80, v4, vm0, $0xb8;
	[tilespmem:$0x10200] =	vst v63  }
0x87: {  	v3 =	vperm.xlane v3, v2  }
0x88: {  	[tilespmem:s10], [sflag:$0x1] =	stream.indirect_vreg.gather [hbm4b:s5+s3], $0x80, v4, vm0, $0xb8;
	[tilespmem:$0x10200] =	vst v63  }
0x89: {  	s0 =	simm.s32 $0x1200;
	v3 =	vadd.s32 v1, v3  }
0x8a: {  	[tilespmem:s0], [sflag:$0x1] =	stream.indirect_vreg.gather [hbm4b:s6+s3], $0x80, v4, vm0, $0xb8;
	[tilespmem:$0x10200] =	vst v63  }
0x8b: {  	_ = 	snop  }
0x8c: {  	[tilespmem:s12], [sflag:$0x1] =	stream.indirect_vreg.gather [hbm4b:s7+s3], $0x80, v4, vm0, $0xb8;
	[tilespmem:$0x10200] =	vst v63  }
0x8d: {  	_ = 	snop  }
0x8e: {  	[tilespmem:s16], [sflag:$0x1] =	stream.indirect_vreg.gather [hbm4b:s2+s3], $0x80, v3, vm0, $0xb8;
	[tilespmem:$0x10200] =	vst v63  }
0x8f: {  	s9 =	simm.s32 $0x2A00  }
0x90: {  	[tilespmem:s9], [sflag:$0x1] =	stream.indirect_vreg.gather [hbm4b:s5+s3], $0x80, v3, vm0, $0xb8;
	[tilespmem:$0x10200] =	vst v63  }
0x91: {  	_ = 	snop  }
0x92: {  	[tilespmem:s18], [sflag:$0x1] =	stream.indirect_vreg.gather [hbm4b:s6+s3], $0x80, v3, vm0, $0xb8;
	[tilespmem:$0x10200] =	vst v63  }
0x93: {  	s17 =	simm.s32 $0x3A00  }
0x94: {  	[tilespmem:s17], [sflag:$0x1] =	stream.indirect_vreg.gather [hbm4b:s7+s3], $0x80, v3, vm0, $0xb8;
	[tilespmem:$0x10200] =	vst v63  }
0x95: {  	_ =	swait.ge [sflag:s26], $0x4000  }
0x96: {  	[sflag:s26] =	ssyncset.done $0x0  }
0x97: {  	s0 =	sadd.s32 $0x1000, s4;
	s17 =	simm.s32 $0x8200;
	[sflag:s26] =	ssyncadd.s32 $0xFFFFC000  }
0x98: {  	[hbm4b:s0+s3] =	stream.linear.scatter [tilespmem:s17], [sflag:$0x7], $0x4000, $0x38;
	[tilespmem:$0x10200] =	vst v63  }
0x99: {  	_ =	swait.ge [sflag:s28], $0x4000  }
0x9a: {  	[sflag:s28] =	ssyncset.done $0x0  }
0x9b: {  	[sflag:s28] =	ssyncadd.s32 $0xFFFFC000  }
0x9c: {  	v3 =	vld [tilespmem:s1+$0xFFFFFFE0];
	_ =	sdelay $0x4  }
0x9d: {  	v61 =	vshll.u32 v3, $0x3  }
0x9e: {  	v3 =	vand.u32 $0x7, v3;
	v4 =	vand.u32 $0xFFFFFFC0, v61  }
0x9f: {  	v3 =	vor.u32 v3, v4  }
0xa0: {  	v4 =	vperm.xlane v3, v0;
	_ =	sdelay $0x1  }
0xa1: {  	v4 =	vadd.s32 v1, v4;
	_ =	sdelay $0x4  }
0xa2: {  	[tilespmem:s14], [sflag:$0x2] =	stream.indirect_vreg.gather [hbm4b:s2+s3], $0x80, v4, vm0, $0xb8;
	[tilespmem:$0x10200] =	vst v63  }
0xa3: {  	v3 =	vperm.xlane v3, v2  }
0xa4: {  	[tilespmem:s20], [sflag:$0x2] =	stream.indirect_vreg.gather [hbm4b:s5+s3], $0x80, v4, vm0, $0xb8;
	[tilespmem:$0x10200] =	vst v63  }
0xa5: {  	v3 =	vadd.s32 v1, v3;
	s14 =	simm.s32 $0x5200  }
0xa6: {  	[tilespmem:s14], [sflag:$0x2] =	stream.indirect_vreg.gather [hbm4b:s6+s3], $0x80, v4, vm0, $0xb8;
	[tilespmem:$0x10200] =	vst v63  }
0xa7: {  	_ = 	snop  }
0xa8: {  	[tilespmem:s22], [sflag:$0x2] =	stream.indirect_vreg.gather [hbm4b:s7+s3], $0x80, v4, vm0, $0xb8;
	[tilespmem:$0x10200] =	vst v63  }
0xa9: {  	s14 =	simm.s32 $0x6200  }
0xaa: {  	[tilespmem:s14], [sflag:$0x2] =	stream.indirect_vreg.gather [hbm4b:s2+s3], $0x80, v3, vm0, $0xb8;
	[tilespmem:$0x10200] =	vst v63  }
0xab: {  	_ = 	snop  }
0xac: {  	[tilespmem:s19], [sflag:$0x2] =	stream.indirect_vreg.gather [hbm4b:s5+s3], $0x80, v3, vm0, $0xb8;
	[tilespmem:$0x10200] =	vst v63  }
0xad: {  	s14 =	simm.s32 $0x7200  }
0xae: {  	[tilespmem:s14], [sflag:$0x2] =	stream.indirect_vreg.gather [hbm4b:s6+s3], $0x80, v3, vm0, $0xb8;
	[tilespmem:$0x10200] =	vst v63  }
0xaf: {  	s14 =	simm.s32 $0x7A00  }
0xb0: {  	[tilespmem:s14], [sflag:$0x2] =	stream.indirect_vreg.gather [hbm4b:s7+s3], $0x80, v3, vm0, $0xb8;
	[tilespmem:$0x10200] =	vst v63  }
0xb1: {  	_ =	swait.ge [sflag:s29], $0x4000  }
0xb2: {  	[sflag:s29] =	ssyncset.done $0x0  }
0xb3: {  	s14 =	sadd.s32 $0x1800, s4;
	[sflag:s29] =	ssyncadd.s32 $0xFFFFC000  }
0xb4: {  	[hbm4b:s14+s3] =	stream.linear.scatter [tilespmem:s15], [sflag:$0x8], $0x4000, $0x38;
	[tilespmem:$0x10200] =	vst v63  }
0xb5: {  	_ =	swait.ge [sflag:s30], $0x4000  }
0xb6: {  	[sflag:s30] =	ssyncset.done $0x0  }
0xb7: {  	[sflag:s30] =	ssyncadd.s32 $0xFFFFC000  }
0xb8: {  	v3 =	vld [tilespmem:s1+$0xFFFFFFF0];
	_ =	sdelay $0x4  }
0xb9: {  	v62 =	vshll.u32 v3, $0x3  }
0xba: {  	v3 =	vand.u32 $0x7, v3;
	v4 =	vand.u32 $0xFFFFFFC0, v62  }
0xbb: {  	v3 =	vor.u32 v3, v4  }
0xbc: {  	v4 =	vperm.xlane v3, v0;
	_ =	sdelay $0x1  }
0xbd: {  	v4 =	vadd.s32 v1, v4;
	_ =	sdelay $0x4  }
0xbe: {  	[tilespmem:s17], [sflag:$0x3] =	stream.indirect_vreg.gather [hbm4b:s2+s3], $0x80, v4, vm0, $0xb8;
	[tilespmem:$0x10200] =	vst v63  }
0xbf: {  	v3 =	vperm.xlane v3, v2;
	s17 =	simm.s32 $0x8A00  }
0xc0: {  	[tilespmem:s17], [sflag:$0x3] =	stream.indirect_vreg.gather [hbm4b:s5+s3], $0x80, v4, vm0, $0xb8;
	[tilespmem:$0x10200] =	vst v63  }
0xc1: {  	v3 =	vadd.s32 v1, v3;
	s17 =	simm.s32 $0x9200  }
0xc2: {  	[tilespmem:s17], [sflag:$0x3] =	stream.indirect_vreg.gather [hbm4b:s6+s3], $0x80, v4, vm0, $0xb8;
	[tilespmem:$0x10200] =	vst v63  }
0xc3: {  	s17 =	simm.s32 $0x9A00  }
0xc4: {  	[tilespmem:s17], [sflag:$0x3] =	stream.indirect_vreg.gather [hbm4b:s7+s3], $0x80, v4, vm0, $0xb8;
	[tilespmem:$0x10200] =	vst v63  }
0xc5: {  	s17 =	simm.s32 $0xA200  }
0xc6: {  	[tilespmem:s17], [sflag:$0x3] =	stream.indirect_vreg.gather [hbm4b:s2+s3], $0x80, v3, vm0, $0xb8;
	[tilespmem:$0x10200] =	vst v63  }
0xc7: {  	s17 =	simm.s32 $0xAA00  }
0xc8: {  	[tilespmem:s17], [sflag:$0x3] =	stream.indirect_vreg.gather [hbm4b:s5+s3], $0x80, v3, vm0, $0xb8;
	[tilespmem:$0x10200] =	vst v63  }
0xc9: {  	s17 =	simm.s32 $0xB200  }
0xca: {  	[tilespmem:s17], [sflag:$0x3] =	stream.indirect_vreg.gather [hbm4b:s6+s3], $0x80, v3, vm0, $0xb8;
	[tilespmem:$0x10200] =	vst v63  }
0xcb: {  	s17 =	simm.s32 $0xBA00  }
0xcc: {  	[tilespmem:s17], [sflag:$0x3] =	stream.indirect_vreg.gather [hbm4b:s7+s3], $0x80, v3, vm0, $0xb8;
	[tilespmem:$0x10200] =	vst v63  }
0xcd: {  	_ =	swait.ge [sflag:s8], $0x4000  }
0xce: {  	[sflag:s8] =	ssyncset.done $0x0  }
0xcf: {  	s4 =	sadd.s32 $0x2000, s4;
	[sflag:s8] =	ssyncadd.s32 $0xFFFFC000  }
0xd0: {  	[hbm4b:s4+s3] =	stream.linear.scatter [tilespmem:s23], [sflag:$0x5], $0x4000, $0x38;
	[tilespmem:$0x10200] =	vst v63  }
0xd1: {  	_ =	swait.ge [sflag:s31], $0x4000  }
0xd2: {  	[sflag:s31] =	ssyncset.done $0x0  }
0xd3: {  	[sflag:s31] =	ssyncadd.s32 $0xFFFFC000  }
0xd4: {  	v3 =	vld [tilespmem:s1+$0x0];
	_ =	sdelay $0x4  }
0xd5: {  	v63 =	vshll.u32 v3, $0x3  }
0xd6: {  	v3 =	vand.u32 $0x7, v3;
	v4 =	vand.u32 $0xFFFFFFC0, v63  }
0xd7: {  	v3 =	vor.u32 v3, v4  }
0xd8: {  	v4 =	vperm.xlane v3, v0;
	_ =	sdelay $0x1  }
0xd9: {  	v4 =	vadd.s32 v1, v4;
	_ =	sdelay $0x4  }
0xda: {  	[tilespmem:s15], [sflag:$0x4] =	stream.indirect_vreg.gather [hbm4b:s2+s3], $0x80, v4, vm0, $0xb8;
	[tilespmem:$0x10200] =	vst v63  }
0xdb: {  	s17 =	simm.s32 $0xCA00;
	v3 =	vperm.xlane v3, v2  }
0xdc: {  	[tilespmem:s17], [sflag:$0x4] =	stream.indirect_vreg.gather [hbm4b:s5+s3], $0x80, v4, vm0, $0xb8;
	[tilespmem:$0x10200] =	vst v63  }
0xdd: {  	s9 =	simm.s32 $0xD200;
	v3 =	vadd.s32 v1, v3  }
0xde: {  	[tilespmem:s9], [sflag:$0x4] =	stream.indirect_vreg.gather [hbm4b:s6+s3], $0x80, v4, vm0, $0xb8;
	[tilespmem:$0x10200] =	vst v63  }
0xdf: {  	s17 =	simm.s32 $0xDA00  }
0xe0: {  	[tilespmem:s17], [sflag:$0x4] =	stream.indirect_vreg.gather [hbm4b:s7+s3], $0x80, v4, vm0, $0xb8;
	[tilespmem:$0x10200] =	vst v63  }
0xe1: {  	s9 =	simm.s32 $0xE200  }
0xe2: {  	[tilespmem:s9], [sflag:$0x4] =	stream.indirect_vreg.gather [hbm4b:s2+s3], $0x80, v3, vm0, $0xb8;
	[tilespmem:$0x10200] =	vst v63  }
0xe3: {  	p0 =	sne.s32 s13, $0xC000;
	s17 =	simm.s32 $0xEA00  }
0xe4: {  	[tilespmem:s17], [sflag:$0x4] =	stream.indirect_vreg.gather [hbm4b:s5+s3], $0x80, v3, vm0, $0xb8;
	[tilespmem:$0x10200] =	vst v63  }
.Ltmp0:
0xe5: {  	_ = 	snop;
	(pc) =	sbr.rel @p0 .LBB2_2-.Ltmp0, $4  }
0xe6: {  	s13 =	sadd.s32 $0x2000, s13  }
0xe7: {  	[tilespmem:s21], [sflag:$0x4] =	stream.indirect_vreg.gather [hbm4b:s6+s3], $0x80, v3, vm0, $0xb8;
	[tilespmem:$0x10200] =	vst v63  }
0xe8: {  	s0 =	simm.s32 $0x4200;
	s14 =	simm.s32 $0x8200;
	s1 =	sadd.s32 $0x40, s1  }
0xe9: {  	[tilespmem:s11], [sflag:$0x4] =	stream.indirect_vreg.gather [hbm4b:s7+s3], $0x80, v3, vm0, $0xb8;
	[tilespmem:$0x10200] =	vst v63  }
0xea: {  	_ =	swait.ge [sflag:s24], $0x4000  }
0xeb: {  	[sflag:s24] =	ssyncset.done $0x0  }
0xec: {  	s1 =	rddreg [dreg:$0x7];
	[sflag:s24] =	ssyncadd.s32 $0xFFFFC000  }
0xed: {  	[hbm4b:s1+s3] =	stream.linear.scatter [tilespmem:s0], [sflag:$0x6], $0x4000, $0x38;
	[tilespmem:$0x10200] =	vst v63  }
0xee: {  	_ =	swait.ge [sflag:s26], $0x4000  }
0xef: {  	[sflag:s26] =	ssyncset.done $0x0  }
0xf0: {  	s21 =	rddreg [dreg:$0x8];
	[sflag:s26] =	ssyncadd.s32 $0xFFFFC000  }
0xf1: {  	[hbm4b:s21+s3] =	stream.linear.scatter [tilespmem:s14], [sflag:$0x7], $0x4000, $0x38;
	[tilespmem:$0x10200] =	vst v63  }
0xf2: {  	_ =	swait.ge [sflag:s29], $0x4000  }
0xf3: {  	[sflag:s29] =	ssyncset.done $0x0  }
0xf4: {  	s22 =	rddreg [dreg:$0x9];
	[sflag:s29] =	ssyncadd.s32 $0xFFFFC000  }
0xf5: {  	[hbm4b:s22+s3] =	stream.linear.scatter [tilespmem:s15], [sflag:$0x8], $0x4000, $0x38;
	[tilespmem:$0x10200] =	vst v63  }
0xf6: {  	_ =	swait.ge [sflag:s25], $0x4000  }
0xf7: {  	[sflag:s25] =	ssyncset.done $0x0  }
0xf8: {  	[sflag:s25] =	ssyncadd.s32 $0xFFFFC000  }
0xf9: {  	_ =	swait.ge [sflag:s28], $0x4000  }
0xfa: {  	[sflag:s28] =	ssyncset.done $0x0  }
0xfb: {  	[sflag:s28] =	ssyncadd.s32 $0xFFFFC000  }
0xfc: {  	_ =	swait.ge [sflag:s30], $0x4000  }
0xfd: {  	[sflag:s30] =	ssyncset.done $0x0  }
0xfe: {  	[sflag:s30] =	ssyncadd.s32 $0xFFFFC000  }
0xff: {  	_ =	swait.ge [sflag:s31], $0x4000  }
0x100: {  	s4 =	rddreg [dreg:$0xb]  }
0x101: {  	s23 =	rddreg [dreg:$0xa];
	s4 =	sadd.s32 $0x1, s4  }
0x102: {  	s9 =	simm.s32 $0xA00;
	p0 =	sne.s32 s4, s23  }
.Ltmp1:
0x103: {  	s10 =	simm.s32 $0x1200;
	s11 =	simm.s32 $0x1A00;
	(pc) =	sbr.rel @p0 .LBB2_1-.Ltmp1, $4  }
0x104: {  	s12 =	simm.s32 $0x2200;
	s13 =	simm.s32 $0x2A00;
	s16 =	simm.s32 $0x3200  }
0x105: {  	s17 =	simm.s32 $0x3A00;
	s18 =	simm.s32 $0x4A00;
	s19 =	simm.s32 $0x5200  }
0x106: {  	s20 =	simm.s32 $0x5A00;
	s21 =	simm.s32 $0x200;
	[sflag:s31] =	ssyncset.done $0x0  }
0x107: {  	s22 =	simm.s32 $0x6A00;
	[sflag:s31] =	ssyncadd.s32 $0xFFFFC000;
	s23 =	simm.s32 $0x6200  }
0x108: {  	_ =	sfence.sel $0x180000  }
0x109: {  	[bflag:$0x0] =	sbarrier.arrive $0xFFFF  }
0x10a: {  	_ =	strace $0x90000047  }
0x10b: {  	s0 =	stileid.u32;
	[bflag:$0x2] =	sbarrier.arrive $0xFFFF  }
0x10c: {  	p0 =	sne.s32 s0, $0x0;
	s0 =	rddreg [dreg:$0x3]  }
0x10d: {  	s0 =	sadd.s32 @!p0 $0x100000, s0  }
0x10e: {  	[sflag:s0] =	ssyncadd.tile.s32 @!p0 $0x1;
	_ =	shalt  }
.Lfunc_end2:
_tile_overlayer_lowered:
.L_overlay_start_2:
0x10f: {  	(tag) =	ssettag $0x2  }
0x110: {  	s0 =	rddreg [dreg:$0x0];
	s2 =	stileid.u32  }
0x111: {  	s1 =	rddreg [dreg:$0x1];
	p0 =	sne.s32 s2, $0x0  }
0x112: {  	s3 =	rddreg [dreg:$0x2];
	[bflag:$0x3] =	sbarrier.arrive $0xFFFF;
	s2 =	simm.s32 @!p0 $0x1C09  }
0x113: {  	[timem:s3], [sflag:s2] =	dma.local @!p0 [hbm:s0], s1  }
0x114: {  	s0 =	simm.s32 @!p0 $0x9  }
0x115: {  	_ =	swait.ge @!p0 [sflag:s0], s1  }
0x116: {  	s1 =	ssub.s32 @!p0 $0x0, s1;
	[sflag:s0] =	ssyncset.done @!p0 $0x0  }
0x117: {  	[sflag:s0] =	ssyncadd.s32 @!p0 s1  }
0x118: {  	[bflag:$0x3] =	sbarrier.arrive $0xFFFF  }
0x119: {  	_ =	shalt  }

</sc_bundles>
